<compile_context>
chip_gen: v7x
topology: tpu7x:2x2x1
jax: 0.10.2.dev20260603
libtpu: 0.0.44.dev20260713+nightly
codegen_flags: <defaults>
</compile_context>

<pallas_src>
import jax
import jax.numpy as jnp
from jax import lax
from jax.experimental import pallas as pl
from jax.experimental.pallas import tpu as pltpu
from jax.experimental.pallas import tpu_sc as plsc

B = 256
NK = 17
G_TOTAL = B * NK
NW = 32
KP_PER_W = 144
G_PAD = NW * KP_PER_W
CHUNKS = KP_PER_W // 16
NIDX = KP_PER_W * 9

SS = (80, 40, 20)
OFFS = (0, 6400, 8000)


_LOG2C = (-2.786812953867443, 5.046876044975941, -3.49249427987935,
          1.5939013634991297, -0.4048671744191854, 0.043428907822139526)
_LN2 = 0.6931471805599453


def _ln_clamped(v):
    bits = lax.bitcast_convert_type(v, jnp.int32)
    e = lax.shift_right_logical(bits, 23) - 127
    m = lax.bitcast_convert_type(
        jnp.bitwise_or(jnp.bitwise_and(bits, 0x7FFFFF), 0x3F800000),
        jnp.float32)
    p = jnp.float32(_LOG2C[5])
    for c in (_LOG2C[4], _LOG2C[3], _LOG2C[2], _LOG2C[1], _LOG2C[0]):
        p = p * m + c
    ln = (e.astype(jnp.float32) + p) * _LN2
    return jnp.maximum(ln, -100.0)


def _sc_body(src, gt2, vis1, out, gxy, vv, idxv, rowsv, outv, sem):
    wid = lax.axis_index("s") * 2 + lax.axis_index("c")
    base = wid * KP_PER_W
    pltpu.sync_copy(gt2.at[pl.ds(2 * base, 2 * KP_PER_W)], gxy)
    pltpu.sync_copy(vis1.at[pl.ds(base, KP_PER_W)], vv)
    lane = lax.iota(jnp.int32, 16)

    def _idx_chunk(i, carry):
        ll = i * 16 + lane
        g = jnp.minimum(base + ll, G_TOTAL - 1)
        x = plsc.load_gather(gxy, [2 * ll])
        y = plsc.load_gather(gxy, [2 * ll + 1])
        b = lax.shift_right_logical(g * 7711, 17)
        k = g - b * NK
        bterm = (lax.shift_right_logical(b, 7) * 1024
                 + jnp.bitwise_and(b, 127))
        ch0 = 5 + 3 * k
        for si in range(3):
            ss = SS[si]
            inv = float(ss) / 640.0
            ax = jnp.minimum((x * inv).astype(jnp.int32), ss - 1)
            ay = jnp.minimum((y * inv).astype(jnp.int32), ss - 1)
            cell = ax * ss + ay + OFFS[si]
            cterm = (lax.shift_right_logical(cell, 3) * 2048
                     + jnp.bitwise_and(cell, 7) * 128 + bterm)
            for ci in range(3):
                j = si * 3 + ci
                idxv[pl.ds(i * 144 + j * 16, 16)] = (
                    (ch0 + ci) * 2150400 + cterm)
        for half in range(2):
            sl = pl.ds(i * 144 + half * 72, 72)
            pltpu.async_copy(src.at[idxv.at[sl]], rowsv.at[sl], sem)
        return carry

    lax.fori_loop(0, CHUNKS, _idx_chunk, 0)
    pltpu.make_async_copy(src.at[pl.ds(0, NIDX)], rowsv, sem).wait()

    def _chunk(i, accs):
        conf_acc, d2_acc, nvis_acc = accs
        ll = i * 16 + lane
        validf = (base + ll < G_TOTAL).astype(jnp.float32)
        x = plsc.load_gather(gxy, [2 * ll])
        y = plsc.load_gather(gxy, [2 * ll + 1])
        t = plsc.load_gather(vv, [ll])
        maskf = (t > 0.0).astype(jnp.float32) * validf
        nvis_acc = nvis_acc + maskf
        for si in range(3):
            px = rowsv[pl.ds(i * 144 + (si * 3 + 0) * 16, 16)]
            py = rowsv[pl.ds(i * 144 + (si * 3 + 1) * 16, 16)]
            pc = rowsv[pl.ds(i * 144 + (si * 3 + 2) * 16, 16)]
            lnp = _ln_clamped(pc)
            ln1mp = _ln_clamped(1.0 - pc)
            conf_acc = conf_acc - validf * (ln1mp + t * (lnp - ln1mp))
            dx = px - x
            dy = py - y
            d2_acc = d2_acc + maskf * (dx * dx + dy * dy)
        return conf_acc, d2_acc, nvis_acc

    zero = jnp.zeros((16,), jnp.float32)
    conf_acc, d2_acc, nvis_acc = lax.fori_loop(
        0, CHUNKS, _chunk, (zero, zero, zero))
    outv[pl.ds(0, 16)] = conf_acc
    outv[pl.ds(16, 16)] = d2_acc
    outv[pl.ds(32, 16)] = nvis_acc
    pltpu.sync_copy(outv, out.at[wid])


_sc_loss = pl.kernel(
    _sc_body,
    out_type=jax.ShapeDtypeStruct((NW, 48), jnp.float32),
    mesh=plsc.VectorSubcoreMesh(core_axis_name="c", subcore_axis_name="s"),
    scratch_types=[
        pltpu.VMEM((2 * KP_PER_W,), jnp.float32),
        pltpu.VMEM((KP_PER_W,), jnp.float32),
        pltpu.VMEM((NIDX,), jnp.int32),
        pltpu.VMEM((NIDX,), jnp.float32),
        pltpu.VMEM((48,), jnp.float32),
        pltpu.SemaphoreType.DMA,
    ],
    compiler_params=pltpu.CompilerParams(needs_layout_passes=False),
)


def _tc_final_body(m_ref, o_ref):
    m = m_ref[...]
    conf = jnp.sum(m[:, 0:16])
    d2 = jnp.sum(m[:, 16:32])
    nvis = jnp.sum(m[:, 32:48])
    o_ref[0, 0] = conf / G_TOTAL + d2 / (2.0 * nvis + 1e-6)


_tc_final = pl.pallas_call(
    _tc_final_body,
    out_shape=jax.ShapeDtypeStruct((1, 1), jnp.float32),
    in_specs=[pl.BlockSpec(memory_space=pltpu.VMEM)],
    out_specs=pl.BlockSpec(memory_space=pltpu.SMEM),
)


@jax.jit
def kernel(output, gt_keypoints, keypoint_visibility):
    src = (output.transpose(1, 2, 0)
           .reshape(58800, 8, 2, 128)
           .transpose(0, 2, 1, 3)
           .reshape(-1))
    gt2 = jnp.pad(gt_keypoints.reshape(-1), (0, 2 * (G_PAD - G_TOTAL)))
    vis1 = jnp.pad(keypoint_visibility.reshape(-1), (0, G_PAD - G_TOTAL))
    partials = _sc_loss(src, gt2, vis1)
    return _tc_final(partials)[0, 0]

# --- scband reference (transcript-rebuilt; emitter-appended) ---
"""Pipeline reference for scband-yolo-keypoint-loss-62826781606075 (READ-ONLY COPY).

The authoritative reference and input builder live on the scoring server;
editing this copy changes nothing except your own understanding.
"""

import jax, jax.numpy as jnp
import numpy as np

SCALE_SIZES = [80, 40, 20]
IMAGE_SIZE = (640, 640)
B = 256
N_KPTS = 17
N_CELLS = 80 * 80 + 40 * 40 + 20 * 20  # 8400


def setup_inputs(seed: int = 0) -> dict:
    key = jax.random.key(seed)
    k1, k2, k3 = jax.random.split(key, 3)
    # fill=rand: predictions must lie in [0,1) for BCE
    output = jax.random.uniform(k1, (B, 56, N_CELLS), dtype=jnp.float32)
    # fill=randint with fill_max=640: pixel coordinates in [0, 640)
    gt_keypoints = jax.random.randint(k2, (B, N_KPTS, 2), 0, 640).astype(jnp.float32)
    # fill=rand: visibility scores in [0,1) (valid BCE targets)
    keypoint_visibility = jax.random.uniform(k3, (B, N_KPTS), dtype=jnp.float32)
    return {"output": output, "gt_keypoints": gt_keypoints, "keypoint_visibility": keypoint_visibility}


def reference(output, gt_keypoints, keypoint_visibility):
    b = output.shape[0]
    reshaped = output[:, 5:, :].reshape(b, N_KPTS, 3, -1)
    s0, s1, s2 = SCALE_SIZES
    bounds = [0, s0 * s0, s0 * s0 + s1 * s1, s0 * s0 + s1 * s1 + s2 * s2]
    scales = [reshaped[:, :, :, bounds[i]:bounds[i + 1]] for i in range(3)]
    gt_kv = jnp.concatenate([gt_keypoints, keypoint_visibility[:, :, None]], axis=2)
    loss = jnp.float32(0.0)
    for scale, ss in zip(scales, SCALE_SIZES):
        cell_x = IMAGE_SIZE[0] / ss
        cell_y = IMAGE_SIZE[1] / ss
        anc_x = jnp.floor(gt_kv[:, :, 0] / cell_x)
        anc_y = jnp.floor(gt_kv[:, :, 1] / cell_y)
        idx = (anc_x * ss + anc_y).astype(jnp.int32)
        idx_e = jnp.broadcast_to(idx[:, :, None, None], (b, N_KPTS, 3, 1))
        result = jnp.take_along_axis(scale, idx_e, axis=3)[..., 0]  # [B,17,3]
        p = result[:, :, 2]
        t = gt_kv[:, :, 2]
        # torch BCE clamps log at -100
        logp = jnp.clip(jnp.log(p), -100.0, None)
        log1mp = jnp.clip(jnp.log(1.0 - p), -100.0, None)
        conf_loss = jnp.mean(-(t * logp + (1.0 - t) * log1mp))
        mask = (keypoint_visibility > 0)[:, :, None]
        maskf = jnp.broadcast_to(mask, (b, N_KPTS, 2)).astype(jnp.float32)
        pred = result[:, :, :2] * maskf
        gtv = gt_keypoints[:, :, :2] * maskf
        loc_loss = jnp.sum((pred - gtv) ** 2) / (jnp.sum(maskf) + 1e-06)
        loss = loss + conf_loss + loc_loss
    return loss

if __name__ == "__main__":
    import jax
    _d = setup_inputs()
    print(jax.jit(kernel)(*tuple(_d.values())))

</pallas_src>

<mosaic_0001>
#map = affine_map<(d0, d1) -> (0)>
#map1 = affine_map<(d0, d1) -> (0, 0)>
module attributes {stable_mosaic.version = 14 : i64} {
  func.func @_sc_body(%arg0: i32, %arg1: i32, %arg2: memref<120422400xf32, #tpu.memory_space<hbm>>, %arg3: memref<9216xf32, #tpu.memory_space<hbm>>, %arg4: memref<4608xf32, #tpu.memory_space<hbm>>, %arg5: memref<32x48xf32, #tpu.memory_space<hbm>>, %arg6: memref<288xf32, #tpu.memory_space<vmem>>, %arg7: memref<144xf32, #tpu.memory_space<vmem>>, %arg8: memref<1296xi32, #tpu.memory_space<vmem>>, %arg9: memref<1296xf32, #tpu.memory_space<vmem>>, %arg10: memref<48xf32, #tpu.memory_space<vmem>>, %arg11: memref<!tpu.dma_semaphore, #tpu.memory_space<semaphore_mem>>) attributes {dimension_semantics = [#tpu.dimension_semantics<core_parallel>, #tpu.dimension_semantics<subcore_parallel>], iteration_bounds = array<i64: 2, 16>, scalar_prefetch = 0 : i64, scratch_operands = 6 : i64, tpu.core_type = #tpu.core_type<sc_vector_subcore>, window_params = [{transform_indices = #map}, {transform_indices = #map}, {transform_indices = #map}, {transform_indices = #map1}]} {
    %mul3A = arith.constant 2 : i32
    %mul3A_0 = arith.muli %arg1, %mul3A : i32
    %add3A = arith.addi %mul3A_0, %arg0 : i32
    %mul3A_1 = arith.constant 144 : i32
    %mul3A_2 = arith.muli %add3A, %mul3A_1 : i32
    %mul3A_3 = arith.constant 2 : i32
    %mul3A_4 = arith.muli %mul3A_3, %mul3A_2 : i32
    "tpu.region"() ({
      %run_scoped3A = tpu.sem_alloc : memref<!tpu.dma_semaphore, #tpu.memory_space<semaphore_mem>>
      %dma_start3A = tpu.memref_slice %arg3[%mul3A_4] : memref<9216xf32, #tpu.memory_space<hbm>> -> memref<288xf32, #tpu.memory_space<hbm>>
      %dma_start3A_25 = tpu.memref_slice %arg3[%mul3A_4] : memref<9216xf32, #tpu.memory_space<hbm>> -> memref<288xf32, #tpu.memory_space<hbm>>
      tpu.enqueue_dma source(%dma_start3A_25 : memref<288xf32, #tpu.memory_space<hbm>>) target(%arg6 : memref<288xf32, #tpu.memory_space<vmem>>) target_semaphore(%run_scoped3A : memref<!tpu.dma_semaphore, #tpu.memory_space<semaphore_mem>>)
      %dma_wait3A_26 = tpu.memref_slice %arg3[%mul3A_4] : memref<9216xf32, #tpu.memory_space<hbm>> -> memref<288xf32, #tpu.memory_space<hbm>>
      %dma_wait3A_27 = tpu.memref_slice %arg3[%mul3A_4] : memref<9216xf32, #tpu.memory_space<hbm>> -> memref<288xf32, #tpu.memory_space<hbm>>
      tpu.wait_dma2 semaphore(%run_scoped3A : memref<!tpu.dma_semaphore, #tpu.memory_space<semaphore_mem>>) src(%dma_wait3A_27 : memref<288xf32, #tpu.memory_space<hbm>>) dst(%arg6 : memref<288xf32, #tpu.memory_space<vmem>>)
      tpu.yield
    }) : () -> ()
    "tpu.region"() ({
      %run_scoped3A = tpu.sem_alloc : memref<!tpu.dma_semaphore, #tpu.memory_space<semaphore_mem>>
      %dma_start3A = tpu.memref_slice %arg4[%mul3A_2] : memref<4608xf32, #tpu.memory_space<hbm>> -> memref<144xf32, #tpu.memory_space<hbm>>
      %dma_start3A_25 = tpu.memref_slice %arg4[%mul3A_2] : memref<4608xf32, #tpu.memory_space<hbm>> -> memref<144xf32, #tpu.memory_space<hbm>>
      tpu.enqueue_dma source(%dma_start3A_25 : memref<144xf32, #tpu.memory_space<hbm>>) target(%arg7 : memref<144xf32, #tpu.memory_space<vmem>>) target_semaphore(%run_scoped3A : memref<!tpu.dma_semaphore, #tpu.memory_space<semaphore_mem>>)
      %dma_wait3A_26 = tpu.memref_slice %arg4[%mul3A_2] : memref<4608xf32, #tpu.memory_space<hbm>> -> memref<144xf32, #tpu.memory_space<hbm>>
      %dma_wait3A_27 = tpu.memref_slice %arg4[%mul3A_2] : memref<4608xf32, #tpu.memory_space<hbm>> -> memref<144xf32, #tpu.memory_space<hbm>>
      tpu.wait_dma2 semaphore(%run_scoped3A : memref<!tpu.dma_semaphore, #tpu.memory_space<semaphore_mem>>) src(%dma_wait3A_27 : memref<144xf32, #tpu.memory_space<hbm>>) dst(%arg7 : memref<144xf32, #tpu.memory_space<vmem>>)
      tpu.yield
    }) : () -> ()
    %iota3A = tpu.iota {dimensions = array<i32: 0>} : vector<16xi32>
    %scan3A = arith.constant 0 : i32
    %scan3A_5 = arith.constant 0 : i32
    %scan3A_6 = arith.constant 9 : i32
    %scan3A_7 = arith.addi %scan3A_5, %scan3A_6 : i32
    %scan3A_8 = arith.constant 1 : i32
    scf.for %scan3A_25 = %scan3A_5 to %scan3A_7 step %scan3A_8  : i32 {
      %mul3A_26 = arith.constant 16 : i32
      %mul3A_27 = arith.muli %scan3A_25, %mul3A_26 : i32
      %add3A_28 = vector.broadcast %mul3A_27 : i32 to vector<16xi32>
      %add3A_29 = arith.addi %add3A_28, %iota3A : vector<16xi32>
      %add3A_30 = vector.broadcast %mul3A_2 : i32 to vector<16xi32>
      %add3A_31 = arith.addi %add3A_30, %add3A_29 : vector<16xi32>
      %min3A = arith.constant 4351 : i32
      %min3A_32 = vector.broadcast %min3A : i32 to vector<16xi32>
      %min3A_33 = arith.minsi %add3A_31, %min3A_32 : vector<16xi32>
      %mul3A_34 = arith.constant 2 : i32
      %mul3A_35 = vector.broadcast %mul3A_34 : i32 to vector<16xi32>
      %mul3A_36 = arith.muli %mul3A_35, %add3A_29 : vector<16xi32>
      %gather3A = tpu.vector_load_idx %arg6[%mul3A_36] : memref<288xf32, #tpu.memory_space<vmem>>[vector<16xi32>], vector<16xf32>,
      %mul3A_37 = arith.constant 2 : i32
      %mul3A_38 = vector.broadcast %mul3A_37 : i32 to vector<16xi32>
      %mul3A_39 = arith.muli %mul3A_38, %add3A_29 : vector<16xi32>
      %add3A_40 = arith.constant 1 : i32
      %add3A_41 = vector.broadcast %add3A_40 : i32 to vector<16xi32>
      %add3A_42 = arith.addi %mul3A_39, %add3A_41 : vector<16xi32>
      %gather3A_43 = tpu.vector_load_idx %arg6[%add3A_42] : memref<288xf32, #tpu.memory_space<vmem>>[vector<16xi32>], vector<16xf32>,
      %mul3A_44 = arith.constant 7711 : i32
      %mul3A_45 = vector.broadcast %mul3A_44 : i32 to vector<16xi32>
      %mul3A_46 = arith.muli %min3A_33, %mul3A_45 : vector<16xi32>
      %shift_right_logical3A = arith.constant 17 : i32
      %shift_right_logical3A_47 = vector.broadcast %shift_right_logical3A : i32 to vector<16xi32>
      %shift_right_logical3A_48 = arith.shrui %mul3A_46, %shift_right_logical3A_47 : vector<16xi32>
      %mul3A_49 = arith.constant 17 : i32
      %mul3A_50 = vector.broadcast %mul3A_49 : i32 to vector<16xi32>
      %mul3A_51 = arith.muli %shift_right_logical3A_48, %mul3A_50 : vector<16xi32>
      %sub3A = arith.subi %min3A_33, %mul3A_51 : vector<16xi32>
      %shift_right_logical3A_52 = arith.constant 7 : i32
      %shift_right_logical3A_53 = vector.broadcast %shift_right_logical3A_52 : i32 to vector<16xi32>
      %shift_right_logical3A_54 = arith.shrui %shift_right_logical3A_48, %shift_right_logical3A_53 : vector<16xi32>
      %mul3A_55 = arith.constant 1024 : i32
      %mul3A_56 = vector.broadcast %mul3A_55 : i32 to vector<16xi32>
      %mul3A_57 = arith.muli %shift_right_logical3A_54, %mul3A_56 : vector<16xi32>
      %and3A = arith.constant 127 : i32
      %and3A_58 = vector.broadcast %and3A : i32 to vector<16xi32>
      %and3A_59 = arith.andi %shift_right_logical3A_48, %and3A_58 : vector<16xi32>
      %add3A_60 = arith.addi %mul3A_57, %and3A_59 : vector<16xi32>
      %mul3A_61 = arith.constant 3 : i32
      %mul3A_62 = vector.broadcast %mul3A_61 : i32 to vector<16xi32>
      %mul3A_63 = arith.muli %mul3A_62, %sub3A : vector<16xi32>
      %add3A_64 = arith.constant 5 : i32
      %add3A_65 = vector.broadcast %add3A_64 : i32 to vector<16xi32>
      %add3A_66 = arith.addi %add3A_65, %mul3A_63 : vector<16xi32>
      %mul3A_67 = arith.constant 1.250000e-01 : f32
      %mul3A_68 = vector.broadcast %mul3A_67 : f32 to vector<16xf32>
      %mul3A_69 = arith.mulf %gather3A, %mul3A_68 : vector<16xf32>
      %convert_element_type3A = arith.fptosi %mul3A_69 : vector<16xf32> to vector<16xi32>
      %min3A_70 = arith.constant 79 : i32
      %min3A_71 = vector.broadcast %min3A_70 : i32 to vector<16xi32>
      %min3A_72 = arith.minsi %convert_element_type3A, %min3A_71 : vector<16xi32>
      %mul3A_73 = arith.constant 1.250000e-01 : f32
      %mul3A_74 = vector.broadcast %mul3A_73 : f32 to vector<16xf32>
      %mul3A_75 = arith.mulf %gather3A_43, %mul3A_74 : vector<16xf32>
      %convert_element_type3A_76 = arith.fptosi %mul3A_75 : vector<16xf32> to vector<16xi32>
      %min3A_77 = arith.constant 79 : i32
      %min3A_78 = vector.broadcast %min3A_77 : i32 to vector<16xi32>
      %min3A_79 = arith.minsi %convert_element_type3A_76, %min3A_78 : vector<16xi32>
      %mul3A_80 = arith.constant 80 : i32
      %mul3A_81 = vector.broadcast %mul3A_80 : i32 to vector<16xi32>
      %mul3A_82 = arith.muli %min3A_72, %mul3A_81 : vector<16xi32>
      %add3A_83 = arith.addi %mul3A_82, %min3A_79 : vector<16xi32>
      %add3A_84 = arith.constant 0 : i32
      %add3A_85 = vector.broadcast %add3A_84 : i32 to vector<16xi32>
      %add3A_86 = arith.addi %add3A_83, %add3A_85 : vector<16xi32>
      %shift_right_logical3A_87 = arith.constant 3 : i32
      %shift_right_logical3A_88 = vector.broadcast %shift_right_logical3A_87 : i32 to vector<16xi32>
      %shift_right_logical3A_89 = arith.shrui %add3A_86, %shift_right_logical3A_88 : vector<16xi32>
      %mul3A_90 = arith.constant 2048 : i32
      %mul3A_91 = vector.broadcast %mul3A_90 : i32 to vector<16xi32>
      %mul3A_92 = arith.muli %shift_right_logical3A_89, %mul3A_91 : vector<16xi32>
      %and3A_93 = arith.constant 7 : i32
      %and3A_94 = vector.broadcast %and3A_93 : i32 to vector<16xi32>
      %and3A_95 = arith.andi %add3A_86, %and3A_94 : vector<16xi32>
      %mul3A_96 = arith.constant 128 : i32
      %mul3A_97 = vector.broadcast %mul3A_96 : i32 to vector<16xi32>
      %mul3A_98 = arith.muli %and3A_95, %mul3A_97 : vector<16xi32>
      %add3A_99 = arith.addi %mul3A_92, %mul3A_98 : vector<16xi32>
      %add3A_100 = arith.addi %add3A_99, %add3A_60 : vector<16xi32>
      %add3A_101 = arith.constant 0 : i32
      %add3A_102 = vector.broadcast %add3A_101 : i32 to vector<16xi32>
      %add3A_103 = arith.addi %add3A_66, %add3A_102 : vector<16xi32>
      %mul3A_104 = arith.constant 2150400 : i32
      %mul3A_105 = vector.broadcast %mul3A_104 : i32 to vector<16xi32>
      %mul3A_106 = arith.muli %add3A_103, %mul3A_105 : vector<16xi32>
      %add3A_107 = arith.addi %mul3A_106, %add3A_100 : vector<16xi32>
      %mul3A_108 = arith.constant 144 : i32
      %mul3A_109 = arith.muli %scan3A_25, %mul3A_108 : i32
      %add3A_110 = arith.constant 0 : i32
      %add3A_111 = arith.addi %mul3A_109, %add3A_110 : i32
      %swap3A_112 = arith.index_cast %add3A_111 : i32 to index
      %swap3A_113 = tpu.vector_load %arg8[%swap3A_112] {strides = array<i32>} : memref<1296xi32, #tpu.memory_space<vmem>>, vector<16xi32>,
      tpu.vector_store %arg8[%swap3A_112], %add3A_107 {strides = array<i32>} : memref<1296xi32, #tpu.memory_space<vmem>>, vector<16xi32>,
      %add3A_114 = arith.constant 1 : i32
      %add3A_115 = vector.broadcast %add3A_114 : i32 to vector<16xi32>
      %add3A_116 = arith.addi %add3A_66, %add3A_115 : vector<16xi32>
      %mul3A_117 = arith.constant 2150400 : i32
      %mul3A_118 = vector.broadcast %mul3A_117 : i32 to vector<16xi32>
      %mul3A_119 = arith.muli %add3A_116, %mul3A_118 : vector<16xi32>
      %add3A_120 = arith.addi %mul3A_119, %add3A_100 : vector<16xi32>
      %mul3A_121 = arith.constant 144 : i32
      %mul3A_122 = arith.muli %scan3A_25, %mul3A_121 : i32
      %add3A_123 = arith.constant 16 : i32
      %add3A_124 = arith.addi %mul3A_122, %add3A_123 : i32
      %swap3A_125 = arith.index_cast %add3A_124 : i32 to index
      %swap3A_126 = tpu.vector_load %arg8[%swap3A_125] {strides = array<i32>} : memref<1296xi32, #tpu.memory_space<vmem>>, vector<16xi32>,
      tpu.vector_store %arg8[%swap3A_125], %add3A_120 {strides = array<i32>} : memref<1296xi32, #tpu.memory_space<vmem>>, vector<16xi32>,
      %add3A_127 = arith.constant 2 : i32
      %add3A_128 = vector.broadcast %add3A_127 : i32 to vector<16xi32>
      %add3A_129 = arith.addi %add3A_66, %add3A_128 : vector<16xi32>
      %mul3A_130 = arith.constant 2150400 : i32
      %mul3A_131 = vector.broadcast %mul3A_130 : i32 to vector<16xi32>
      %mul3A_132 = arith.muli %add3A_129, %mul3A_131 : vector<16xi32>
      %add3A_133 = arith.addi %mul3A_132, %add3A_100 : vector<16xi32>
      %mul3A_134 = arith.constant 144 : i32
      %mul3A_135 = arith.muli %scan3A_25, %mul3A_134 : i32
      %add3A_136 = arith.constant 32 : i32
      %add3A_137 = arith.addi %mul3A_135, %add3A_136 : i32
      %swap3A_138 = arith.index_cast %add3A_137 : i32 to index
      %swap3A_139 = tpu.vector_load %arg8[%swap3A_138] {strides = array<i32>} : memref<1296xi32, #tpu.memory_space<vmem>>, vector<16xi32>,
      tpu.vector_store %arg8[%swap3A_138], %add3A_133 {strides = array<i32>} : memref<1296xi32, #tpu.memory_space<vmem>>, vector<16xi32>,
      %mul3A_140 = arith.constant 6.250000e-02 : f32
      %mul3A_141 = vector.broadcast %mul3A_140 : f32 to vector<16xf32>
      %mul3A_142 = arith.mulf %gather3A, %mul3A_141 : vector<16xf32>
      %convert_element_type3A_143 = arith.fptosi %mul3A_142 : vector<16xf32> to vector<16xi32>
      %min3A_144 = arith.constant 39 : i32
      %min3A_145 = vector.broadcast %min3A_144 : i32 to vector<16xi32>
      %min3A_146 = arith.minsi %convert_element_type3A_143, %min3A_145 : vector<16xi32>
      %mul3A_147 = arith.constant 6.250000e-02 : f32
      %mul3A_148 = vector.broadcast %mul3A_147 : f32 to vector<16xf32>
      %mul3A_149 = arith.mulf %gather3A_43, %mul3A_148 : vector<16xf32>
      %convert_element_type3A_150 = arith.fptosi %mul3A_149 : vector<16xf32> to vector<16xi32>
      %min3A_151 = arith.constant 39 : i32
      %min3A_152 = vector.broadcast %min3A_151 : i32 to vector<16xi32>
      %min3A_153 = arith.minsi %convert_element_type3A_150, %min3A_152 : vector<16xi32>
      %mul3A_154 = arith.constant 40 : i32
      %mul3A_155 = vector.broadcast %mul3A_154 : i32 to vector<16xi32>
      %mul3A_156 = arith.muli %min3A_146, %mul3A_155 : vector<16xi32>
      %add3A_157 = arith.addi %mul3A_156, %min3A_153 : vector<16xi32>
      %add3A_158 = arith.constant 6400 : i32
      %add3A_159 = vector.broadcast %add3A_158 : i32 to vector<16xi32>
      %add3A_160 = arith.addi %add3A_157, %add3A_159 : vector<16xi32>
      %shift_right_logical3A_161 = arith.constant 3 : i32
      %shift_right_logical3A_162 = vector.broadcast %shift_right_logical3A_161 : i32 to vector<16xi32>
      %shift_right_logical3A_163 = arith.shrui %add3A_160, %shift_right_logical3A_162 : vector<16xi32>
      %mul3A_164 = arith.constant 2048 : i32
      %mul3A_165 = vector.broadcast %mul3A_164 : i32 to vector<16xi32>
      %mul3A_166 = arith.muli %shift_right_logical3A_163, %mul3A_165 : vector<16xi32>
      %and3A_167 = arith.constant 7 : i32
      %and3A_168 = vector.broadcast %and3A_167 : i32 to vector<16xi32>
      %and3A_169 = arith.andi %add3A_160, %and3A_168 : vector<16xi32>
      %mul3A_170 = arith.constant 128 : i32
      %mul3A_171 = vector.broadcast %mul3A_170 : i32 to vector<16xi32>
      %mul3A_172 = arith.muli %and3A_169, %mul3A_171 : vector<16xi32>
      %add3A_173 = arith.addi %mul3A_166, %mul3A_172 : vector<16xi32>
      %add3A_174 = arith.addi %add3A_173, %add3A_60 : vector<16xi32>
      %add3A_175 = arith.constant 0 : i32
      %add3A_176 = vector.broadcast %add3A_175 : i32 to vector<16xi32>
      %add3A_177 = arith.addi %add3A_66, %add3A_176 : vector<16xi32>
      %mul3A_178 = arith.constant 2150400 : i32
      %mul3A_179 = vector.broadcast %mul3A_178 : i32 to vector<16xi32>
      %mul3A_180 = arith.muli %add3A_177, %mul3A_179 : vector<16xi32>
      %add3A_181 = arith.addi %mul3A_180, %add3A_174 : vector<16xi32>
      %mul3A_182 = arith.constant 144 : i32
      %mul3A_183 = arith.muli %scan3A_25, %mul3A_182 : i32
      %add3A_184 = arith.constant 48 : i32
      %add3A_185 = arith.addi %mul3A_183, %add3A_184 : i32
      %swap3A_186 = arith.index_cast %add3A_185 : i32 to index
      %swap3A_187 = tpu.vector_load %arg8[%swap3A_186] {strides = array<i32>} : memref<1296xi32, #tpu.memory_space<vmem>>, vector<16xi32>,
      tpu.vector_store %arg8[%swap3A_186], %add3A_181 {strides = array<i32>} : memref<1296xi32, #tpu.memory_space<vmem>>, vector<16xi32>,
      %add3A_188 = arith.constant 1 : i32
      %add3A_189 = vector.broadcast %add3A_188 : i32 to vector<16xi32>
      %add3A_190 = arith.addi %add3A_66, %add3A_189 : vector<16xi32>
      %mul3A_191 = arith.constant 2150400 : i32
      %mul3A_192 = vector.broadcast %mul3A_191 : i32 to vector<16xi32>
      %mul3A_193 = arith.muli %add3A_190, %mul3A_192 : vector<16xi32>
      %add3A_194 = arith.addi %mul3A_193, %add3A_174 : vector<16xi32>
      %mul3A_195 = arith.constant 144 : i32
      %mul3A_196 = arith.muli %scan3A_25, %mul3A_195 : i32
      %add3A_197 = arith.constant 64 : i32
      %add3A_198 = arith.addi %mul3A_196, %add3A_197 : i32
      %swap3A_199 = arith.index_cast %add3A_198 : i32 to index
      %swap3A_200 = tpu.vector_load %arg8[%swap3A_199] {strides = array<i32>} : memref<1296xi32, #tpu.memory_space<vmem>>, vector<16xi32>,
      tpu.vector_store %arg8[%swap3A_199], %add3A_194 {strides = array<i32>} : memref<1296xi32, #tpu.memory_space<vmem>>, vector<16xi32>,
      %add3A_201 = arith.constant 2 : i32
      %add3A_202 = vector.broadcast %add3A_201 : i32 to vector<16xi32>
      %add3A_203 = arith.addi %add3A_66, %add3A_202 : vector<16xi32>
      %mul3A_204 = arith.constant 2150400 : i32
      %mul3A_205 = vector.broadcast %mul3A_204 : i32 to vector<16xi32>
      %mul3A_206 = arith.muli %add3A_203, %mul3A_205 : vector<16xi32>
      %add3A_207 = arith.addi %mul3A_206, %add3A_174 : vector<16xi32>
      %mul3A_208 = arith.constant 144 : i32
      %mul3A_209 = arith.muli %scan3A_25, %mul3A_208 : i32
      %add3A_210 = arith.constant 80 : i32
      %add3A_211 = arith.addi %mul3A_209, %add3A_210 : i32
      %swap3A_212 = arith.index_cast %add3A_211 : i32 to index
      %swap3A_213 = tpu.vector_load %arg8[%swap3A_212] {strides = array<i32>} : memref<1296xi32, #tpu.memory_space<vmem>>, vector<16xi32>,
      tpu.vector_store %arg8[%swap3A_212], %add3A_207 {strides = array<i32>} : memref<1296xi32, #tpu.memory_space<vmem>>, vector<16xi32>,
      %mul3A_214 = arith.constant 3.125000e-02 : f32
      %mul3A_215 = vector.broadcast %mul3A_214 : f32 to vector<16xf32>
      %mul3A_216 = arith.mulf %gather3A, %mul3A_215 : vector<16xf32>
      %convert_element_type3A_217 = arith.fptosi %mul3A_216 : vector<16xf32> to vector<16xi32>
      %min3A_218 = arith.constant 19 : i32
      %min3A_219 = vector.broadcast %min3A_218 : i32 to vector<16xi32>
      %min3A_220 = arith.minsi %convert_element_type3A_217, %min3A_219 : vector<16xi32>
      %mul3A_221 = arith.constant 3.125000e-02 : f32
      %mul3A_222 = vector.broadcast %mul3A_221 : f32 to vector<16xf32>
      %mul3A_223 = arith.mulf %gather3A_43, %mul3A_222 : vector<16xf32>
      %convert_element_type3A_224 = arith.fptosi %mul3A_223 : vector<16xf32> to vector<16xi32>
      %min3A_225 = arith.constant 19 : i32
      %min3A_226 = vector.broadcast %min3A_225 : i32 to vector<16xi32>
      %min3A_227 = arith.minsi %convert_element_type3A_224, %min3A_226 : vector<16xi32>
      %mul3A_228 = arith.constant 20 : i32
      %mul3A_229 = vector.broadcast %mul3A_228 : i32 to vector<16xi32>
      %mul3A_230 = arith.muli %min3A_220, %mul3A_229 : vector<16xi32>
      %add3A_231 = arith.addi %mul3A_230, %min3A_227 : vector<16xi32>
      %add3A_232 = arith.constant 8000 : i32
      %add3A_233 = vector.broadcast %add3A_232 : i32 to vector<16xi32>
      %add3A_234 = arith.addi %add3A_231, %add3A_233 : vector<16xi32>
      %shift_right_logical3A_235 = arith.constant 3 : i32
      %shift_right_logical3A_236 = vector.broadcast %shift_right_logical3A_235 : i32 to vector<16xi32>
      %shift_right_logical3A_237 = arith.shrui %add3A_234, %shift_right_logical3A_236 : vector<16xi32>
      %mul3A_238 = arith.constant 2048 : i32
      %mul3A_239 = vector.broadcast %mul3A_238 : i32 to vector<16xi32>
      %mul3A_240 = arith.muli %shift_right_logical3A_237, %mul3A_239 : vector<16xi32>
      %and3A_241 = arith.constant 7 : i32
      %and3A_242 = vector.broadcast %and3A_241 : i32 to vector<16xi32>
      %and3A_243 = arith.andi %add3A_234, %and3A_242 : vector<16xi32>
      %mul3A_244 = arith.constant 128 : i32
      %mul3A_245 = vector.broadcast %mul3A_244 : i32 to vector<16xi32>
      %mul3A_246 = arith.muli %and3A_243, %mul3A_245 : vector<16xi32>
      %add3A_247 = arith.addi %mul3A_240, %mul3A_246 : vector<16xi32>
      %add3A_248 = arith.addi %add3A_247, %add3A_60 : vector<16xi32>
      %add3A_249 = arith.constant 0 : i32
      %add3A_250 = vector.broadcast %add3A_249 : i32 to vector<16xi32>
      %add3A_251 = arith.addi %add3A_66, %add3A_250 : vector<16xi32>
      %mul3A_252 = arith.constant 2150400 : i32
      %mul3A_253 = vector.broadcast %mul3A_252 : i32 to vector<16xi32>
      %mul3A_254 = arith.muli %add3A_251, %mul3A_253 : vector<16xi32>
      %add3A_255 = arith.addi %mul3A_254, %add3A_248 : vector<16xi32>
      %mul3A_256 = arith.constant 144 : i32
      %mul3A_257 = arith.muli %scan3A_25, %mul3A_256 : i32
      %add3A_258 = arith.constant 96 : i32
      %add3A_259 = arith.addi %mul3A_257, %add3A_258 : i32
      %swap3A_260 = arith.index_cast %add3A_259 : i32 to index
      %swap3A_261 = tpu.vector_load %arg8[%swap3A_260] {strides = array<i32>} : memref<1296xi32, #tpu.memory_space<vmem>>, vector<16xi32>,
      tpu.vector_store %arg8[%swap3A_260], %add3A_255 {strides = array<i32>} : memref<1296xi32, #tpu.memory_space<vmem>>, vector<16xi32>,
      %add3A_262 = arith.constant 1 : i32
      %add3A_263 = vector.broadcast %add3A_262 : i32 to vector<16xi32>
      %add3A_264 = arith.addi %add3A_66, %add3A_263 : vector<16xi32>
      %mul3A_265 = arith.constant 2150400 : i32
      %mul3A_266 = vector.broadcast %mul3A_265 : i32 to vector<16xi32>
      %mul3A_267 = arith.muli %add3A_264, %mul3A_266 : vector<16xi32>
      %add3A_268 = arith.addi %mul3A_267, %add3A_248 : vector<16xi32>
      %mul3A_269 = arith.constant 144 : i32
      %mul3A_270 = arith.muli %scan3A_25, %mul3A_269 : i32
      %add3A_271 = arith.constant 112 : i32
      %add3A_272 = arith.addi %mul3A_270, %add3A_271 : i32
      %swap3A_273 = arith.index_cast %add3A_272 : i32 to index
      %swap3A_274 = tpu.vector_load %arg8[%swap3A_273] {strides = array<i32>} : memref<1296xi32, #tpu.memory_space<vmem>>, vector<16xi32>,
      tpu.vector_store %arg8[%swap3A_273], %add3A_268 {strides = array<i32>} : memref<1296xi32, #tpu.memory_space<vmem>>, vector<16xi32>,
      %add3A_275 = arith.constant 2 : i32
      %add3A_276 = vector.broadcast %add3A_275 : i32 to vector<16xi32>
      %add3A_277 = arith.addi %add3A_66, %add3A_276 : vector<16xi32>
      %mul3A_278 = arith.constant 2150400 : i32
      %mul3A_279 = vector.broadcast %mul3A_278 : i32 to vector<16xi32>
      %mul3A_280 = arith.muli %add3A_277, %mul3A_279 : vector<16xi32>
      %add3A_281 = arith.addi %mul3A_280, %add3A_248 : vector<16xi32>
      %mul3A_282 = arith.constant 144 : i32
      %mul3A_283 = arith.muli %scan3A_25, %mul3A_282 : i32
      %add3A_284 = arith.constant 128 : i32
      %add3A_285 = arith.addi %mul3A_283, %add3A_284 : i32
      %swap3A_286 = arith.index_cast %add3A_285 : i32 to index
      %swap3A_287 = tpu.vector_load %arg8[%swap3A_286] {strides = array<i32>} : memref<1296xi32, #tpu.memory_space<vmem>>, vector<16xi32>,
      tpu.vector_store %arg8[%swap3A_286], %add3A_281 {strides = array<i32>} : memref<1296xi32, #tpu.memory_space<vmem>>, vector<16xi32>,
      %mul3A_288 = arith.constant 144 : i32
      %mul3A_289 = arith.muli %scan3A_25, %mul3A_288 : i32
      %add3A_290 = arith.constant 0 : i32
      %add3A_291 = arith.addi %mul3A_289, %add3A_290 : i32
      %dma_start3A = tpu.memref_slice %arg9[%add3A_291] : memref<1296xf32, #tpu.memory_space<vmem>> -> memref<72xf32, #tpu.memory_space<vmem>>
      %dma_start3A_292 = tpu.memref_slice %arg8[%add3A_291] : memref<1296xi32, #tpu.memory_space<vmem>> -> memref<72xi32, #tpu.memory_space<vmem>>
      %dma_start3A_293 = arith.constant 0 : i32
      %dma_start3A_294 = tpu.memref_slice %arg2[%dma_start3A_293] : memref<120422400xf32, #tpu.memory_space<hbm>> -> memref<120422400xf32, #tpu.memory_space<hbm>>
      tpu.enqueue_indirect_dma source(%dma_start3A_294 : memref<120422400xf32, #tpu.memory_space<hbm>>) target(%dma_start3A : memref<72xf32, #tpu.memory_space<vmem>>) offsets(%dma_start3A_292 : memref<72xi32, #tpu.memory_space<vmem>>) semaphore(%arg11 : memref<!tpu.dma_semaphore, #tpu.memory_space<semaphore_mem>>)
      %mul3A_295 = arith.constant 144 : i32
      %mul3A_296 = arith.muli %scan3A_25, %mul3A_295 : i32
      %add3A_297 = arith.constant 72 : i32
      %add3A_298 = arith.addi %mul3A_296, %add3A_297 : i32
      %dma_start3A_299 = tpu.memref_slice %arg9[%add3A_298] : memref<1296xf32, #tpu.memory_space<vmem>> -> memref<72xf32, #tpu.memory_space<vmem>>
      %dma_start3A_300 = tpu.memref_slice %arg8[%add3A_298] : memref<1296xi32, #tpu.memory_space<vmem>> -> memref<72xi32, #tpu.memory_space<vmem>>
      %dma_start3A_301 = arith.constant 0 : i32
      %dma_start3A_302 = tpu.memref_slice %arg2[%dma_start3A_301] : memref<120422400xf32, #tpu.memory_space<hbm>> -> memref<120422400xf32, #tpu.memory_space<hbm>>
      tpu.enqueue_indirect_dma source(%dma_start3A_302 : memref<120422400xf32, #tpu.memory_space<hbm>>) target(%dma_start3A_299 : memref<72xf32, #tpu.memory_space<vmem>>) offsets(%dma_start3A_300 : memref<72xi32, #tpu.memory_space<vmem>>) semaphore(%arg11 : memref<!tpu.dma_semaphore, #tpu.memory_space<semaphore_mem>>)
    }
    %scan3A_9 = arith.constant 9 : i32
    %dma_wait3A = arith.constant 0 : i32
    %dma_wait3A_10 = tpu.memref_slice %arg2[%dma_wait3A] : memref<120422400xf32, #tpu.memory_space<hbm>> -> memref<1296xf32, #tpu.memory_space<hbm>>
    %dma_wait3A_11 = arith.constant 0 : i32
    %dma_wait3A_12 = tpu.memref_slice %arg2[%dma_wait3A_11] : memref<120422400xf32, #tpu.memory_space<hbm>> -> memref<1296xf32, #tpu.memory_space<hbm>>
    tpu.wait_dma2 semaphore(%arg11 : memref<!tpu.dma_semaphore, #tpu.memory_space<semaphore_mem>>) src(%dma_wait3A_12 : memref<1296xf32, #tpu.memory_space<hbm>>) dst(%arg9 : memref<1296xf32, #tpu.memory_space<vmem>>)
    %broadcast_in_dim3A = arith.constant 0.000000e+00 : f32
    %broadcast_in_dim3A_13 = vector.broadcast %broadcast_in_dim3A : f32 to vector<16xf32>
    %scan3A_14 = arith.constant 0 : i32
    %scan3A_15 = arith.constant 9 : i32
    %scan3A_16 = arith.addi %scan3A_14, %scan3A_15 : i32
    %scan3A_17 = arith.constant 1 : i32
    %scan3A_18:3 = scf.for %scan3A_25 = %scan3A_14 to %scan3A_16 step %scan3A_17 iter_args(%scan3A_26 = %broadcast_in_dim3A_13, %scan3A_27 = %broadcast_in_dim3A_13, %scan3A_28 = %broadcast_in_dim3A_13) -> (vector<16xf32>, vector<16xf32>, vector<16xf32>)  : i32 {
      %mul3A_29 = arith.constant 16 : i32
      %mul3A_30 = arith.muli %scan3A_25, %mul3A_29 : i32
      %add3A_31 = vector.broadcast %mul3A_30 : i32 to vector<16xi32>
      %add3A_32 = arith.addi %add3A_31, %iota3A : vector<16xi32>
      %add3A_33 = vector.broadcast %mul3A_2 : i32 to vector<16xi32>
      %add3A_34 = arith.addi %add3A_33, %add3A_32 : vector<16xi32>
      %lt3A = arith.constant 4352 : i32
      %lt3A_35 = vector.broadcast %lt3A : i32 to vector<16xi32>
      %lt3A_36 = arith.cmpi slt, %add3A_34, %lt3A_35 : vector<16xi32>
      %convert_element_type3A = arith.extui %lt3A_36 : vector<16xi1> to vector<16xi32>
      %convert_element_type3A_37 = arith.sitofp %convert_element_type3A : vector<16xi32> to vector<16xf32>
      %mul3A_38 = arith.constant 2 : i32
      %mul3A_39 = vector.broadcast %mul3A_38 : i32 to vector<16xi32>
      %mul3A_40 = arith.muli %mul3A_39, %add3A_32 : vector<16xi32>
      %gather3A = tpu.vector_load_idx %arg6[%mul3A_40] : memref<288xf32, #tpu.memory_space<vmem>>[vector<16xi32>], vector<16xf32>,
      %mul3A_41 = arith.constant 2 : i32
      %mul3A_42 = vector.broadcast %mul3A_41 : i32 to vector<16xi32>
      %mul3A_43 = arith.muli %mul3A_42, %add3A_32 : vector<16xi32>
      %add3A_44 = arith.constant 1 : i32
      %add3A_45 = vector.broadcast %add3A_44 : i32 to vector<16xi32>
      %add3A_46 = arith.addi %mul3A_43, %add3A_45 : vector<16xi32>
      %gather3A_47 = tpu.vector_load_idx %arg6[%add3A_46] : memref<288xf32, #tpu.memory_space<vmem>>[vector<16xi32>], vector<16xf32>,
      %gather3A_48 = tpu.vector_load_idx %arg7[%add3A_32] : memref<144xf32, #tpu.memory_space<vmem>>[vector<16xi32>], vector<16xf32>,
      %gt3A = arith.constant 0.000000e+00 : f32
      %gt3A_49 = vector.broadcast %gt3A : f32 to vector<16xf32>
      %gt3A_50 = arith.cmpf ogt, %gather3A_48, %gt3A_49 : vector<16xf32>
      %convert_element_type3A_51 = arith.extui %gt3A_50 : vector<16xi1> to vector<16xi32>
      %convert_element_type3A_52 = arith.sitofp %convert_element_type3A_51 : vector<16xi32> to vector<16xf32>
      %mul3A_53 = arith.mulf %convert_element_type3A_52, %convert_element_type3A_37 : vector<16xf32>
      %add3A_54 = arith.addf %scan3A_28, %mul3A_53 : vector<16xf32>
      %mul3A_55 = arith.constant 144 : i32
      %mul3A_56 = arith.muli %scan3A_25, %mul3A_55 : i32
      %add3A_57 = arith.constant 0 : i32
      %add3A_58 = arith.addi %mul3A_56, %add3A_57 : i32
      %get3A = arith.index_cast %add3A_58 : i32 to index
      %get3A_59 = tpu.vector_load %arg9[%get3A] {strides = array<i32>} : memref<1296xf32, #tpu.memory_space<vmem>>, vector<16xf32>,
      %mul3A_60 = arith.constant 144 : i32
      %mul3A_61 = arith.muli %scan3A_25, %mul3A_60 : i32
      %add3A_62 = arith.constant 16 : i32
      %add3A_63 = arith.addi %mul3A_61, %add3A_62 : i32
      %get3A_64 = arith.index_cast %add3A_63 : i32 to index
      %get3A_65 = tpu.vector_load %arg9[%get3A_64] {strides = array<i32>} : memref<1296xf32, #tpu.memory_space<vmem>>, vector<16xf32>,
      %mul3A_66 = arith.constant 144 : i32
      %mul3A_67 = arith.muli %scan3A_25, %mul3A_66 : i32
      %add3A_68 = arith.constant 32 : i32
      %add3A_69 = arith.addi %mul3A_67, %add3A_68 : i32
      %get3A_70 = arith.index_cast %add3A_69 : i32 to index
      %get3A_71 = tpu.vector_load %arg9[%get3A_70] {strides = array<i32>} : memref<1296xf32, #tpu.memory_space<vmem>>, vector<16xf32>,
      %bitcast_convert_type3A = tpu.bitcast %get3A_71 : vector<16xf32> -> vector<16xi32>
      %shift_right_logical3A = arith.constant 23 : i32
      %shift_right_logical3A_72 = vector.broadcast %shift_right_logical3A : i32 to vector<16xi32>
      %shift_right_logical3A_73 = arith.shrui %bitcast_convert_type3A, %shift_right_logical3A_72 : vector<16xi32>
      %sub3A = arith.constant 127 : i32
      %sub3A_74 = vector.broadcast %sub3A : i32 to vector<16xi32>
      %sub3A_75 = arith.subi %shift_right_logical3A_73, %sub3A_74 : vector<16xi32>
      %and3A = arith.constant 8388607 : i32
      %and3A_76 = vector.broadcast %and3A : i32 to vector<16xi32>
      %and3A_77 = arith.andi %bitcast_convert_type3A, %and3A_76 : vector<16xi32>
      %or3A = arith.constant 1065353216 : i32
      %or3A_78 = vector.broadcast %or3A : i32 to vector<16xi32>
      %or3A_79 = arith.ori %and3A_77, %or3A_78 : vector<16xi32>
      %bitcast_convert_type3A_80 = tpu.bitcast %or3A_79 : vector<16xi32> -> vector<16xf32>
      %mul3A_81 = arith.constant 0.043428909 : f32
      %mul3A_82 = vector.broadcast %mul3A_81 : f32 to vector<16xf32>
      %mul3A_83 = arith.mulf %mul3A_82, %bitcast_convert_type3A_80 : vector<16xf32>
      %add3A_84 = arith.constant -0.404867172 : f32
      %add3A_85 = vector.broadcast %add3A_84 : f32 to vector<16xf32>
      %add3A_86 = arith.addf %mul3A_83, %add3A_85 : vector<16xf32>
      %mul3A_87 = arith.mulf %add3A_86, %bitcast_convert_type3A_80 : vector<16xf32>
      %add3A_88 = arith.constant 1.5939014 : f32
      %add3A_89 = vector.broadcast %add3A_88 : f32 to vector<16xf32>
      %add3A_90 = arith.addf %mul3A_87, %add3A_89 : vector<16xf32>
      %mul3A_91 = arith.mulf %add3A_90, %bitcast_convert_type3A_80 : vector<16xf32>
      %add3A_92 = arith.constant -3.49249434 : f32
      %add3A_93 = vector.broadcast %add3A_92 : f32 to vector<16xf32>
      %add3A_94 = arith.addf %mul3A_91, %add3A_93 : vector<16xf32>
      %mul3A_95 = arith.mulf %add3A_94, %bitcast_convert_type3A_80 : vector<16xf32>
      %add3A_96 = arith.constant 5.04687595 : f32
      %add3A_97 = vector.broadcast %add3A_96 : f32 to vector<16xf32>
      %add3A_98 = arith.addf %mul3A_95, %add3A_97 : vector<16xf32>
      %mul3A_99 = arith.mulf %add3A_98, %bitcast_convert_type3A_80 : vector<16xf32>
      %add3A_100 = arith.constant -2.78681302 : f32
      %add3A_101 = vector.broadcast %add3A_100 : f32 to vector<16xf32>
      %add3A_102 = arith.addf %mul3A_99, %add3A_101 : vector<16xf32>
      %convert_element_type3A_103 = arith.sitofp %sub3A_75 : vector<16xi32> to vector<16xf32>
      %add3A_104 = arith.addf %convert_element_type3A_103, %add3A_102 : vector<16xf32>
      %mul3A_105 = arith.constant 0.693147182 : f32
      %mul3A_106 = vector.broadcast %mul3A_105 : f32 to vector<16xf32>
      %mul3A_107 = arith.mulf %add3A_104, %mul3A_106 : vector<16xf32>
      %max3A = arith.constant -1.000000e+02 : f32
      %max3A_108 = vector.broadcast %max3A : f32 to vector<16xf32>
      %max3A_109 = arith.maximumf %mul3A_107, %max3A_108 : vector<16xf32>
      %sub3A_110 = arith.constant 1.000000e+00 : f32
      %sub3A_111 = vector.broadcast %sub3A_110 : f32 to vector<16xf32>
      %sub3A_112 = arith.subf %sub3A_111, %get3A_71 : vector<16xf32>
      %bitcast_convert_type3A_113 = tpu.bitcast %sub3A_112 : vector<16xf32> -> vector<16xi32>
      %shift_right_logical3A_114 = arith.constant 23 : i32
      %shift_right_logical3A_115 = vector.broadcast %shift_right_logical3A_114 : i32 to vector<16xi32>
      %shift_right_logical3A_116 = arith.shrui %bitcast_convert_type3A_113, %shift_right_logical3A_115 : vector<16xi32>
      %sub3A_117 = arith.constant 127 : i32
      %sub3A_118 = vector.broadcast %sub3A_117 : i32 to vector<16xi32>
      %sub3A_119 = arith.subi %shift_right_logical3A_116, %sub3A_118 : vector<16xi32>
      %and3A_120 = arith.constant 8388607 : i32
      %and3A_121 = vector.broadcast %and3A_120 : i32 to vector<16xi32>
      %and3A_122 = arith.andi %bitcast_convert_type3A_113, %and3A_121 : vector<16xi32>
      %or3A_123 = arith.constant 1065353216 : i32
      %or3A_124 = vector.broadcast %or3A_123 : i32 to vector<16xi32>
      %or3A_125 = arith.ori %and3A_122, %or3A_124 : vector<16xi32>
      %bitcast_convert_type3A_126 = tpu.bitcast %or3A_125 : vector<16xi32> -> vector<16xf32>
      %mul3A_127 = arith.constant 0.043428909 : f32
      %mul3A_128 = vector.broadcast %mul3A_127 : f32 to vector<16xf32>
      %mul3A_129 = arith.mulf %mul3A_128, %bitcast_convert_type3A_126 : vector<16xf32>
      %add3A_130 = arith.constant -0.404867172 : f32
      %add3A_131 = vector.broadcast %add3A_130 : f32 to vector<16xf32>
      %add3A_132 = arith.addf %mul3A_129, %add3A_131 : vector<16xf32>
      %mul3A_133 = arith.mulf %add3A_132, %bitcast_convert_type3A_126 : vector<16xf32>
      %add3A_134 = arith.constant 1.5939014 : f32
      %add3A_135 = vector.broadcast %add3A_134 : f32 to vector<16xf32>
      %add3A_136 = arith.addf %mul3A_133, %add3A_135 : vector<16xf32>
      %mul3A_137 = arith.mulf %add3A_136, %bitcast_convert_type3A_126 : vector<16xf32>
      %add3A_138 = arith.constant -3.49249434 : f32
      %add3A_139 = vector.broadcast %add3A_138 : f32 to vector<16xf32>
      %add3A_140 = arith.addf %mul3A_137, %add3A_139 : vector<16xf32>
      %mul3A_141 = arith.mulf %add3A_140, %bitcast_convert_type3A_126 : vector<16xf32>
      %add3A_142 = arith.constant 5.04687595 : f32
      %add3A_143 = vector.broadcast %add3A_142 : f32 to vector<16xf32>
      %add3A_144 = arith.addf %mul3A_141, %add3A_143 : vector<16xf32>
      %mul3A_145 = arith.mulf %add3A_144, %bitcast_convert_type3A_126 : vector<16xf32>
      %add3A_146 = arith.constant -2.78681302 : f32
      %add3A_147 = vector.broadcast %add3A_146 : f32 to vector<16xf32>
      %add3A_148 = arith.addf %mul3A_145, %add3A_147 : vector<16xf32>
      %convert_element_type3A_149 = arith.sitofp %sub3A_119 : vector<16xi32> to vector<16xf32>
      %add3A_150 = arith.addf %convert_element_type3A_149, %add3A_148 : vector<16xf32>
      %mul3A_151 = arith.constant 0.693147182 : f32
      %mul3A_152 = vector.broadcast %mul3A_151 : f32 to vector<16xf32>
      %mul3A_153 = arith.mulf %add3A_150, %mul3A_152 : vector<16xf32>
      %max3A_154 = arith.constant -1.000000e+02 : f32
      %max3A_155 = vector.broadcast %max3A_154 : f32 to vector<16xf32>
      %max3A_156 = arith.maximumf %mul3A_153, %max3A_155 : vector<16xf32>
      %sub3A_157 = arith.subf %max3A_109, %max3A_156 : vector<16xf32>
      %mul3A_158 = arith.mulf %gather3A_48, %sub3A_157 : vector<16xf32>
      %add3A_159 = arith.addf %max3A_156, %mul3A_158 : vector<16xf32>
      %mul3A_160 = arith.mulf %convert_element_type3A_37, %add3A_159 : vector<16xf32>
      %sub3A_161 = arith.subf %scan3A_26, %mul3A_160 : vector<16xf32>
      %sub3A_162 = arith.subf %get3A_59, %gather3A : vector<16xf32>
      %sub3A_163 = arith.subf %get3A_65, %gather3A_47 : vector<16xf32>
      %mul3A_164 = arith.mulf %sub3A_162, %sub3A_162 : vector<16xf32>
      %mul3A_165 = arith.mulf %sub3A_163, %sub3A_163 : vector<16xf32>
      %add3A_166 = arith.addf %mul3A_164, %mul3A_165 : vector<16xf32>
      %mul3A_167 = arith.mulf %mul3A_53, %add3A_166 : vector<16xf32>
      %add3A_168 = arith.addf %scan3A_27, %mul3A_167 : vector<16xf32>
      %mul3A_169 = arith.constant 144 : i32
      %mul3A_170 = arith.muli %scan3A_25, %mul3A_169 : i32
      %add3A_171 = arith.constant 48 : i32
      %add3A_172 = arith.addi %mul3A_170, %add3A_171 : i32
      %get3A_173 = arith.index_cast %add3A_172 : i32 to index
      %get3A_174 = tpu.vector_load %arg9[%get3A_173] {strides = array<i32>} : memref<1296xf32, #tpu.memory_space<vmem>>, vector<16xf32>,
      %mul3A_175 = arith.constant 144 : i32
      %mul3A_176 = arith.muli %scan3A_25, %mul3A_175 : i32
      %add3A_177 = arith.constant 64 : i32
      %add3A_178 = arith.addi %mul3A_176, %add3A_177 : i32
      %get3A_179 = arith.index_cast %add3A_178 : i32 to index
      %get3A_180 = tpu.vector_load %arg9[%get3A_179] {strides = array<i32>} : memref<1296xf32, #tpu.memory_space<vmem>>, vector<16xf32>,
      %mul3A_181 = arith.constant 144 : i32
      %mul3A_182 = arith.muli %scan3A_25, %mul3A_181 : i32
      %add3A_183 = arith.constant 80 : i32
      %add3A_184 = arith.addi %mul3A_182, %add3A_183 : i32
      %get3A_185 = arith.index_cast %add3A_184 : i32 to index
      %get3A_186 = tpu.vector_load %arg9[%get3A_185] {strides = array<i32>} : memref<1296xf32, #tpu.memory_space<vmem>>, vector<16xf32>,
      %bitcast_convert_type3A_187 = tpu.bitcast %get3A_186 : vector<16xf32> -> vector<16xi32>
      %shift_right_logical3A_188 = arith.constant 23 : i32
      %shift_right_logical3A_189 = vector.broadcast %shift_right_logical3A_188 : i32 to vector<16xi32>
      %shift_right_logical3A_190 = arith.shrui %bitcast_convert_type3A_187, %shift_right_logical3A_189 : vector<16xi32>
      %sub3A_191 = arith.constant 127 : i32
      %sub3A_192 = vector.broadcast %sub3A_191 : i32 to vector<16xi32>
      %sub3A_193 = arith.subi %shift_right_logical3A_190, %sub3A_192 : vector<16xi32>
      %and3A_194 = arith.constant 8388607 : i32
      %and3A_195 = vector.broadcast %and3A_194 : i32 to vector<16xi32>
      %and3A_196 = arith.andi %bitcast_convert_type3A_187, %and3A_195 : vector<16xi32>
      %or3A_197 = arith.constant 1065353216 : i32
      %or3A_198 = vector.broadcast %or3A_197 : i32 to vector<16xi32>
      %or3A_199 = arith.ori %and3A_196, %or3A_198 : vector<16xi32>
      %bitcast_convert_type3A_200 = tpu.bitcast %or3A_199 : vector<16xi32> -> vector<16xf32>
      %mul3A_201 = arith.constant 0.043428909 : f32
      %mul3A_202 = vector.broadcast %mul3A_201 : f32 to vector<16xf32>
      %mul3A_203 = arith.mulf %mul3A_202, %bitcast_convert_type3A_200 : vector<16xf32>
      %add3A_204 = arith.constant -0.404867172 : f32
      %add3A_205 = vector.broadcast %add3A_204 : f32 to vector<16xf32>
      %add3A_206 = arith.addf %mul3A_203, %add3A_205 : vector<16xf32>
      %mul3A_207 = arith.mulf %add3A_206, %bitcast_convert_type3A_200 : vector<16xf32>
      %add3A_208 = arith.constant 1.5939014 : f32
      %add3A_209 = vector.broadcast %add3A_208 : f32 to vector<16xf32>
      %add3A_210 = arith.addf %mul3A_207, %add3A_209 : vector<16xf32>
      %mul3A_211 = arith.mulf %add3A_210, %bitcast_convert_type3A_200 : vector<16xf32>
      %add3A_212 = arith.constant -3.49249434 : f32
      %add3A_213 = vector.broadcast %add3A_212 : f32 to vector<16xf32>
      %add3A_214 = arith.addf %mul3A_211, %add3A_213 : vector<16xf32>
      %mul3A_215 = arith.mulf %add3A_214, %bitcast_convert_type3A_200 : vector<16xf32>
      %add3A_216 = arith.constant 5.04687595 : f32
      %add3A_217 = vector.broadcast %add3A_216 : f32 to vector<16xf32>
      %add3A_218 = arith.addf %mul3A_215, %add3A_217 : vector<16xf32>
      %mul3A_219 = arith.mulf %add3A_218, %bitcast_convert_type3A_200 : vector<16xf32>
      %add3A_220 = arith.constant -2.78681302 : f32
      %add3A_221 = vector.broadcast %add3A_220 : f32 to vector<16xf32>
      %add3A_222 = arith.addf %mul3A_219, %add3A_221 : vector<16xf32>
      %convert_element_type3A_223 = arith.sitofp %sub3A_193 : vector<16xi32> to vector<16xf32>
      %add3A_224 = arith.addf %convert_element_type3A_223, %add3A_222 : vector<16xf32>
      %mul3A_225 = arith.constant 0.693147182 : f32
      %mul3A_226 = vector.broadcast %mul3A_225 : f32 to vector<16xf32>
      %mul3A_227 = arith.mulf %add3A_224, %mul3A_226 : vector<16xf32>
      %max3A_228 = arith.constant -1.000000e+02 : f32
      %max3A_229 = vector.broadcast %max3A_228 : f32 to vector<16xf32>
      %max3A_230 = arith.maximumf %mul3A_227, %max3A_229 : vector<16xf32>
      %sub3A_231 = arith.constant 1.000000e+00 : f32
      %sub3A_232 = vector.broadcast %sub3A_231 : f32 to vector<16xf32>
      %sub3A_233 = arith.subf %sub3A_232, %get3A_186 : vector<16xf32>
      %bitcast_convert_type3A_234 = tpu.bitcast %sub3A_233 : vector<16xf32> -> vector<16xi32>
      %shift_right_logical3A_235 = arith.constant 23 : i32
      %shift_right_logical3A_236 = vector.broadcast %shift_right_logical3A_235 : i32 to vector<16xi32>
      %shift_right_logical3A_237 = arith.shrui %bitcast_convert_type3A_234, %shift_right_logical3A_236 : vector<16xi32>
      %sub3A_238 = arith.constant 127 : i32
      %sub3A_239 = vector.broadcast %sub3A_238 : i32 to vector<16xi32>
      %sub3A_240 = arith.subi %shift_right_logical3A_237, %sub3A_239 : vector<16xi32>
      %and3A_241 = arith.constant 8388607 : i32
      %and3A_242 = vector.broadcast %and3A_241 : i32 to vector<16xi32>
      %and3A_243 = arith.andi %bitcast_convert_type3A_234, %and3A_242 : vector<16xi32>
      %or3A_244 = arith.constant 1065353216 : i32
      %or3A_245 = vector.broadcast %or3A_244 : i32 to vector<16xi32>
      %or3A_246 = arith.ori %and3A_243, %or3A_245 : vector<16xi32>
      %bitcast_convert_type3A_247 = tpu.bitcast %or3A_246 : vector<16xi32> -> vector<16xf32>
      %mul3A_248 = arith.constant 0.043428909 : f32
      %mul3A_249 = vector.broadcast %mul3A_248 : f32 to vector<16xf32>
      %mul3A_250 = arith.mulf %mul3A_249, %bitcast_convert_type3A_247 : vector<16xf32>
      %add3A_251 = arith.constant -0.404867172 : f32
      %add3A_252 = vector.broadcast %add3A_251 : f32 to vector<16xf32>
      %add3A_253 = arith.addf %mul3A_250, %add3A_252 : vector<16xf32>
      %mul3A_254 = arith.mulf %add3A_253, %bitcast_convert_type3A_247 : vector<16xf32>
      %add3A_255 = arith.constant 1.5939014 : f32
      %add3A_256 = vector.broadcast %add3A_255 : f32 to vector<16xf32>
      %add3A_257 = arith.addf %mul3A_254, %add3A_256 : vector<16xf32>
      %mul3A_258 = arith.mulf %add3A_257, %bitcast_convert_type3A_247 : vector<16xf32>
      %add3A_259 = arith.constant -3.49249434 : f32
      %add3A_260 = vector.broadcast %add3A_259 : f32 to vector<16xf32>
      %add3A_261 = arith.addf %mul3A_258, %add3A_260 : vector<16xf32>
      %mul3A_262 = arith.mulf %add3A_261, %bitcast_convert_type3A_247 : vector<16xf32>
      %add3A_263 = arith.constant 5.04687595 : f32
      %add3A_264 = vector.broadcast %add3A_263 : f32 to vector<16xf32>
      %add3A_265 = arith.addf %mul3A_262, %add3A_264 : vector<16xf32>
      %mul3A_266 = arith.mulf %add3A_265, %bitcast_convert_type3A_247 : vector<16xf32>
      %add3A_267 = arith.constant -2.78681302 : f32
      %add3A_268 = vector.broadcast %add3A_267 : f32 to vector<16xf32>
      %add3A_269 = arith.addf %mul3A_266, %add3A_268 : vector<16xf32>
      %convert_element_type3A_270 = arith.sitofp %sub3A_240 : vector<16xi32> to vector<16xf32>
      %add3A_271 = arith.addf %convert_element_type3A_270, %add3A_269 : vector<16xf32>
      %mul3A_272 = arith.constant 0.693147182 : f32
      %mul3A_273 = vector.broadcast %mul3A_272 : f32 to vector<16xf32>
      %mul3A_274 = arith.mulf %add3A_271, %mul3A_273 : vector<16xf32>
      %max3A_275 = arith.constant -1.000000e+02 : f32
      %max3A_276 = vector.broadcast %max3A_275 : f32 to vector<16xf32>
      %max3A_277 = arith.maximumf %mul3A_274, %max3A_276 : vector<16xf32>
      %sub3A_278 = arith.subf %max3A_230, %max3A_277 : vector<16xf32>
      %mul3A_279 = arith.mulf %gather3A_48, %sub3A_278 : vector<16xf32>
      %add3A_280 = arith.addf %max3A_277, %mul3A_279 : vector<16xf32>
      %mul3A_281 = arith.mulf %convert_element_type3A_37, %add3A_280 : vector<16xf32>
      %sub3A_282 = arith.subf %sub3A_161, %mul3A_281 : vector<16xf32>
      %sub3A_283 = arith.subf %get3A_174, %gather3A : vector<16xf32>
      %sub3A_284 = arith.subf %get3A_180, %gather3A_47 : vector<16xf32>
      %mul3A_285 = arith.mulf %sub3A_283, %sub3A_283 : vector<16xf32>
      %mul3A_286 = arith.mulf %sub3A_284, %sub3A_284 : vector<16xf32>
      %add3A_287 = arith.addf %mul3A_285, %mul3A_286 : vector<16xf32>
      %mul3A_288 = arith.mulf %mul3A_53, %add3A_287 : vector<16xf32>
      %add3A_289 = arith.addf %add3A_168, %mul3A_288 : vector<16xf32>
      %mul3A_290 = arith.constant 144 : i32
      %mul3A_291 = arith.muli %scan3A_25, %mul3A_290 : i32
      %add3A_292 = arith.constant 96 : i32
      %add3A_293 = arith.addi %mul3A_291, %add3A_292 : i32
      %get3A_294 = arith.index_cast %add3A_293 : i32 to index
      %get3A_295 = tpu.vector_load %arg9[%get3A_294] {strides = array<i32>} : memref<1296xf32, #tpu.memory_space<vmem>>, vector<16xf32>,
      %mul3A_296 = arith.constant 144 : i32
      %mul3A_297 = arith.muli %scan3A_25, %mul3A_296 : i32
      %add3A_298 = arith.constant 112 : i32
      %add3A_299 = arith.addi %mul3A_297, %add3A_298 : i32
      %get3A_300 = arith.index_cast %add3A_299 : i32 to index
      %get3A_301 = tpu.vector_load %arg9[%get3A_300] {strides = array<i32>} : memref<1296xf32, #tpu.memory_space<vmem>>, vector<16xf32>,
      %mul3A_302 = arith.constant 144 : i32
      %mul3A_303 = arith.muli %scan3A_25, %mul3A_302 : i32
      %add3A_304 = arith.constant 128 : i32
      %add3A_305 = arith.addi %mul3A_303, %add3A_304 : i32
      %get3A_306 = arith.index_cast %add3A_305 : i32 to index
      %get3A_307 = tpu.vector_load %arg9[%get3A_306] {strides = array<i32>} : memref<1296xf32, #tpu.memory_space<vmem>>, vector<16xf32>,
      %bitcast_convert_type3A_308 = tpu.bitcast %get3A_307 : vector<16xf32> -> vector<16xi32>
      %shift_right_logical3A_309 = arith.constant 23 : i32
      %shift_right_logical3A_310 = vector.broadcast %shift_right_logical3A_309 : i32 to vector<16xi32>
      %shift_right_logical3A_311 = arith.shrui %bitcast_convert_type3A_308, %shift_right_logical3A_310 : vector<16xi32>
      %sub3A_312 = arith.constant 127 : i32
      %sub3A_313 = vector.broadcast %sub3A_312 : i32 to vector<16xi32>
      %sub3A_314 = arith.subi %shift_right_logical3A_311, %sub3A_313 : vector<16xi32>
      %and3A_315 = arith.constant 8388607 : i32
      %and3A_316 = vector.broadcast %and3A_315 : i32 to vector<16xi32>
      %and3A_317 = arith.andi %bitcast_convert_type3A_308, %and3A_316 : vector<16xi32>
      %or3A_318 = arith.constant 1065353216 : i32
      %or3A_319 = vector.broadcast %or3A_318 : i32 to vector<16xi32>
      %or3A_320 = arith.ori %and3A_317, %or3A_319 : vector<16xi32>
      %bitcast_convert_type3A_321 = tpu.bitcast %or3A_320 : vector<16xi32> -> vector<16xf32>
      %mul3A_322 = arith.constant 0.043428909 : f32
      %mul3A_323 = vector.broadcast %mul3A_322 : f32 to vector<16xf32>
      %mul3A_324 = arith.mulf %mul3A_323, %bitcast_convert_type3A_321 : vector<16xf32>
      %add3A_325 = arith.constant -0.404867172 : f32
      %add3A_326 = vector.broadcast %add3A_325 : f32 to vector<16xf32>
      %add3A_327 = arith.addf %mul3A_324, %add3A_326 : vector<16xf32>
      %mul3A_328 = arith.mulf %add3A_327, %bitcast_convert_type3A_321 : vector<16xf32>
      %add3A_329 = arith.constant 1.5939014 : f32
      %add3A_330 = vector.broadcast %add3A_329 : f32 to vector<16xf32>
      %add3A_331 = arith.addf %mul3A_328, %add3A_330 : vector<16xf32>
      %mul3A_332 = arith.mulf %add3A_331, %bitcast_convert_type3A_321 : vector<16xf32>
      %add3A_333 = arith.constant -3.49249434 : f32
      %add3A_334 = vector.broadcast %add3A_333 : f32 to vector<16xf32>
      %add3A_335 = arith.addf %mul3A_332, %add3A_334 : vector<16xf32>
      %mul3A_336 = arith.mulf %add3A_335, %bitcast_convert_type3A_321 : vector<16xf32>
      %add3A_337 = arith.constant 5.04687595 : f32
      %add3A_338 = vector.broadcast %add3A_337 : f32 to vector<16xf32>
      %add3A_339 = arith.addf %mul3A_336, %add3A_338 : vector<16xf32>
      %mul3A_340 = arith.mulf %add3A_339, %bitcast_convert_type3A_321 : vector<16xf32>
      %add3A_341 = arith.constant -2.78681302 : f32
      %add3A_342 = vector.broadcast %add3A_341 : f32 to vector<16xf32>
      %add3A_343 = arith.addf %mul3A_340, %add3A_342 : vector<16xf32>
      %convert_element_type3A_344 = arith.sitofp %sub3A_314 : vector<16xi32> to vector<16xf32>
      %add3A_345 = arith.addf %convert_element_type3A_344, %add3A_343 : vector<16xf32>
      %mul3A_346 = arith.constant 0.693147182 : f32
      %mul3A_347 = vector.broadcast %mul3A_346 : f32 to vector<16xf32>
      %mul3A_348 = arith.mulf %add3A_345, %mul3A_347 : vector<16xf32>
      %max3A_349 = arith.constant -1.000000e+02 : f32
      %max3A_350 = vector.broadcast %max3A_349 : f32 to vector<16xf32>
      %max3A_351 = arith.maximumf %mul3A_348, %max3A_350 : vector<16xf32>
      %sub3A_352 = arith.constant 1.000000e+00 : f32
      %sub3A_353 = vector.broadcast %sub3A_352 : f32 to vector<16xf32>
      %sub3A_354 = arith.subf %sub3A_353, %get3A_307 : vector<16xf32>
      %bitcast_convert_type3A_355 = tpu.bitcast %sub3A_354 : vector<16xf32> -> vector<16xi32>
      %shift_right_logical3A_356 = arith.constant 23 : i32
      %shift_right_logical3A_357 = vector.broadcast %shift_right_logical3A_356 : i32 to vector<16xi32>
      %shift_right_logical3A_358 = arith.shrui %bitcast_convert_type3A_355, %shift_right_logical3A_357 : vector<16xi32>
      %sub3A_359 = arith.constant 127 : i32
      %sub3A_360 = vector.broadcast %sub3A_359 : i32 to vector<16xi32>
      %sub3A_361 = arith.subi %shift_right_logical3A_358, %sub3A_360 : vector<16xi32>
      %and3A_362 = arith.constant 8388607 : i32
      %and3A_363 = vector.broadcast %and3A_362 : i32 to vector<16xi32>
      %and3A_364 = arith.andi %bitcast_convert_type3A_355, %and3A_363 : vector<16xi32>
      %or3A_365 = arith.constant 1065353216 : i32
      %or3A_366 = vector.broadcast %or3A_365 : i32 to vector<16xi32>
      %or3A_367 = arith.ori %and3A_364, %or3A_366 : vector<16xi32>
      %bitcast_convert_type3A_368 = tpu.bitcast %or3A_367 : vector<16xi32> -> vector<16xf32>
      %mul3A_369 = arith.constant 0.043428909 : f32
      %mul3A_370 = vector.broadcast %mul3A_369 : f32 to vector<16xf32>
      %mul3A_371 = arith.mulf %mul3A_370, %bitcast_convert_type3A_368 : vector<16xf32>
      %add3A_372 = arith.constant -0.404867172 : f32
      %add3A_373 = vector.broadcast %add3A_372 : f32 to vector<16xf32>
      %add3A_374 = arith.addf %mul3A_371, %add3A_373 : vector<16xf32>
      %mul3A_375 = arith.mulf %add3A_374, %bitcast_convert_type3A_368 : vector<16xf32>
      %add3A_376 = arith.constant 1.5939014 : f32
      %add3A_377 = vector.broadcast %add3A_376 : f32 to vector<16xf32>
      %add3A_378 = arith.addf %mul3A_375, %add3A_377 : vector<16xf32>
      %mul3A_379 = arith.mulf %add3A_378, %bitcast_convert_type3A_368 : vector<16xf32>
      %add3A_380 = arith.constant -3.49249434 : f32
      %add3A_381 = vector.broadcast %add3A_380 : f32 to vector<16xf32>
      %add3A_382 = arith.addf %mul3A_379, %add3A_381 : vector<16xf32>
      %mul3A_383 = arith.mulf %add3A_382, %bitcast_convert_type3A_368 : vector<16xf32>
      %add3A_384 = arith.constant 5.04687595 : f32
      %add3A_385 = vector.broadcast %add3A_384 : f32 to vector<16xf32>
      %add3A_386 = arith.addf %mul3A_383, %add3A_385 : vector<16xf32>
      %mul3A_387 = arith.mulf %add3A_386, %bitcast_convert_type3A_368 : vector<16xf32>
      %add3A_388 = arith.constant -2.78681302 : f32
      %add3A_389 = vector.broadcast %add3A_388 : f32 to vector<16xf32>
      %add3A_390 = arith.addf %mul3A_387, %add3A_389 : vector<16xf32>
      %convert_element_type3A_391 = arith.sitofp %sub3A_361 : vector<16xi32> to vector<16xf32>
      %add3A_392 = arith.addf %convert_element_type3A_391, %add3A_390 : vector<16xf32>
      %mul3A_393 = arith.constant 0.693147182 : f32
      %mul3A_394 = vector.broadcast %mul3A_393 : f32 to vector<16xf32>
      %mul3A_395 = arith.mulf %add3A_392, %mul3A_394 : vector<16xf32>
      %max3A_396 = arith.constant -1.000000e+02 : f32
      %max3A_397 = vector.broadcast %max3A_396 : f32 to vector<16xf32>
      %max3A_398 = arith.maximumf %mul3A_395, %max3A_397 : vector<16xf32>
      %sub3A_399 = arith.subf %max3A_351, %max3A_398 : vector<16xf32>
      %mul3A_400 = arith.mulf %gather3A_48, %sub3A_399 : vector<16xf32>
      %add3A_401 = arith.addf %max3A_398, %mul3A_400 : vector<16xf32>
      %mul3A_402 = arith.mulf %convert_element_type3A_37, %add3A_401 : vector<16xf32>
      %sub3A_403 = arith.subf %sub3A_282, %mul3A_402 : vector<16xf32>
      %sub3A_404 = arith.subf %get3A_295, %gather3A : vector<16xf32>
      %sub3A_405 = arith.subf %get3A_301, %gather3A_47 : vector<16xf32>
      %mul3A_406 = arith.mulf %sub3A_404, %sub3A_404 : vector<16xf32>
      %mul3A_407 = arith.mulf %sub3A_405, %sub3A_405 : vector<16xf32>
      %add3A_408 = arith.addf %mul3A_406, %mul3A_407 : vector<16xf32>
      %mul3A_409 = arith.mulf %mul3A_53, %add3A_408 : vector<16xf32>
      %add3A_410 = arith.addf %add3A_289, %mul3A_409 : vector<16xf32>
      scf.yield %sub3A_403, %add3A_410, %add3A_54 : vector<16xf32>, vector<16xf32>, vector<16xf32>
    }
    %scan3A_19 = arith.constant 9 : i32
    %swap3A = arith.constant 0 : index
    %swap3A_20 = tpu.vector_load %arg10[%swap3A] {strides = array<i32>} : memref<48xf32, #tpu.memory_space<vmem>>, vector<16xf32>,
    tpu.vector_store %arg10[%swap3A], %scan3A_18#0 {strides = array<i32>} : memref<48xf32, #tpu.memory_space<vmem>>, vector<16xf32>,
    %swap3A_21 = arith.constant 16 : index
    %swap3A_22 = tpu.vector_load %arg10[%swap3A_21] {strides = array<i32>} : memref<48xf32, #tpu.memory_space<vmem>>, vector<16xf32>,
    tpu.vector_store %arg10[%swap3A_21], %scan3A_18#1 {strides = array<i32>} : memref<48xf32, #tpu.memory_space<vmem>>, vector<16xf32>,
    %swap3A_23 = arith.constant 32 : index
    %swap3A_24 = tpu.vector_load %arg10[%swap3A_23] {strides = array<i32>} : memref<48xf32, #tpu.memory_space<vmem>>, vector<16xf32>,
    tpu.vector_store %arg10[%swap3A_23], %scan3A_18#2 {strides = array<i32>} : memref<48xf32, #tpu.memory_space<vmem>>, vector<16xf32>,
    "tpu.region"() ({
      %run_scoped3A = tpu.sem_alloc : memref<!tpu.dma_semaphore, #tpu.memory_space<semaphore_mem>>
      %dma_start3A = arith.constant 0 : i32
      %dma_start3A_25 = tpu.memref_slice %arg5[%add3A, %dma_start3A] : memref<32x48xf32, #tpu.memory_space<hbm>> -> memref<1x48xf32, #tpu.memory_space<hbm>>
      %dma_start3A_26 = tpu.memref_squeeze %dma_start3A_25 : memref<1x48xf32, #tpu.memory_space<hbm>> -> memref<48xf32, #tpu.memory_space<hbm>>
      %dma_start3A_27 = arith.constant 0 : i32
      %dma_start3A_28 = tpu.memref_slice %arg5[%add3A, %dma_start3A_27] : memref<32x48xf32, #tpu.memory_space<hbm>> -> memref<1x48xf32, #tpu.memory_space<hbm>>
      %dma_start3A_29 = tpu.memref_squeeze %dma_start3A_28 : memref<1x48xf32, #tpu.memory_space<hbm>> -> memref<48xf32, #tpu.memory_space<hbm>>
      tpu.enqueue_dma source(%arg10 : memref<48xf32, #tpu.memory_space<vmem>>) target(%dma_start3A_29 : memref<48xf32, #tpu.memory_space<hbm>>) target_semaphore(%run_scoped3A : memref<!tpu.dma_semaphore, #tpu.memory_space<semaphore_mem>>)
      %dma_wait3A_30 = arith.constant 0 : i32
      %dma_wait3A_31 = tpu.memref_slice %arg5[%add3A, %dma_wait3A_30] : memref<32x48xf32, #tpu.memory_space<hbm>> -> memref<1x48xf32, #tpu.memory_space<hbm>>
      %dma_wait3A_32 = tpu.memref_squeeze %dma_wait3A_31 : memref<1x48xf32, #tpu.memory_space<hbm>> -> memref<48xf32, #tpu.memory_space<hbm>>
      %dma_wait3A_33 = arith.constant 0 : i32
      %dma_wait3A_34 = tpu.memref_slice %arg5[%add3A, %dma_wait3A_33] : memref<32x48xf32, #tpu.memory_space<hbm>> -> memref<1x48xf32, #tpu.memory_space<hbm>>
      %dma_wait3A_35 = tpu.memref_squeeze %dma_wait3A_34 : memref<1x48xf32, #tpu.memory_space<hbm>> -> memref<48xf32, #tpu.memory_space<hbm>>
      tpu.wait_dma2 semaphore(%run_scoped3A : memref<!tpu.dma_semaphore, #tpu.memory_space<semaphore_mem>>) src(%arg10 : memref<48xf32, #tpu.memory_space<vmem>>) dst(%dma_wait3A_35 : memref<48xf32, #tpu.memory_space<hbm>>)
      tpu.yield
    }) : () -> ()
    return
  }
}

module attributes {stable_mosaic.version = 14 : i64} {
  func.func @_tc_final_body(%arg0: memref<32x48xf32, #tpu.memory_space<vmem>>, %arg1: memref<1x1xf32, #tpu.memory_space<smem>>) attributes {dimension_semantics = [], scalar_prefetch = 0 : i64, scratch_operands = 0 : i64, tpu.core_type = #tpu.core_type<tc>} {
    %get3A = arith.constant 0 : index
    %get3A_0 = arith.constant 0 : index
    %get3A_1 = vector.load %arg0[%get3A, %get3A_0] : memref<32x48xf32, #tpu.memory_space<vmem>>, vector<32x48xf32>
    %slice3A = vector.extract_strided_slice %get3A_1 {offsets = [0, 0], sizes = [32, 16], strides = [1, 1]} : vector<32x48xf32> to vector<32x16xf32>
    %reduce_sum3A = vector.shape_cast %slice3A : vector<32x16xf32> to vector<1x32x16xf32>
    %reduce_sum3A_2 = arith.constant dense<0.000000e+00> : vector<1xf32>
    %reduce_sum3A_3 = vector.multi_reduction <add>, %reduce_sum3A, %reduce_sum3A_2 [1, 2] : vector<1x32x16xf32> to vector<1xf32>
    %reduce_sum3A_4 = vector.shape_cast %reduce_sum3A_3 : vector<1xf32> to vector<1x1x1xf32>
    %reduce_sum3A_5 = vector.extract %reduce_sum3A_4[0, 0, 0] : f32 from vector<1x1x1xf32>
    %slice3A_6 = vector.extract_strided_slice %get3A_1 {offsets = [0, 16], sizes = [32, 16], strides = [1, 1]} : vector<32x48xf32> to vector<32x16xf32>
    %reduce_sum3A_7 = vector.shape_cast %slice3A_6 : vector<32x16xf32> to vector<1x32x16xf32>
    %reduce_sum3A_8 = arith.constant dense<0.000000e+00> : vector<1xf32>
    %reduce_sum3A_9 = vector.multi_reduction <add>, %reduce_sum3A_7, %reduce_sum3A_8 [1, 2] : vector<1x32x16xf32> to vector<1xf32>
    %reduce_sum3A_10 = vector.shape_cast %reduce_sum3A_9 : vector<1xf32> to vector<1x1x1xf32>
    %reduce_sum3A_11 = vector.extract %reduce_sum3A_10[0, 0, 0] : f32 from vector<1x1x1xf32>
    %slice3A_12 = vector.extract_strided_slice %get3A_1 {offsets = [0, 32], sizes = [32, 16], strides = [1, 1]} : vector<32x48xf32> to vector<32x16xf32>
    %reduce_sum3A_13 = vector.shape_cast %slice3A_12 : vector<32x16xf32> to vector<1x32x16xf32>
    %reduce_sum3A_14 = arith.constant dense<0.000000e+00> : vector<1xf32>
    %reduce_sum3A_15 = vector.multi_reduction <add>, %reduce_sum3A_13, %reduce_sum3A_14 [1, 2] : vector<1x32x16xf32> to vector<1xf32>
    %reduce_sum3A_16 = vector.shape_cast %reduce_sum3A_15 : vector<1xf32> to vector<1x1x1xf32>
    %reduce_sum3A_17 = vector.extract %reduce_sum3A_16[0, 0, 0] : f32 from vector<1x1x1xf32>
    %div3A = arith.constant 4.352000e+03 : f32
    %div3A_18 = arith.divf %reduce_sum3A_5, %div3A : f32
    %mul3A = arith.constant 2.000000e+00 : f32
    %mul3A_19 = arith.mulf %mul3A, %reduce_sum3A_17 : f32
    %add3A = arith.constant 9.99999997E-7 : f32
    %add3A_20 = arith.addf %mul3A_19, %add3A : f32
    %div3A_21 = arith.divf %reduce_sum3A_11, %add3A_20 : f32
    %add3A_22 = arith.addf %div3A_18, %div3A_21 : f32
    %swap3A = arith.constant 0 : index
    %swap3A_23 = arith.constant 0 : index
    %swap3A_24 = memref.load %arg1[%swap3A, %swap3A_23] : memref<1x1xf32, #tpu.memory_space<smem>>
    memref.store %add3A_22, %arg1[%swap3A, %swap3A_23] : memref<1x1xf32, #tpu.memory_space<smem>>
    return
  }
}

</mosaic_0001>

<sc_bundles>
// kernel: kernel.4.cloned.1.call-start
scs
__scs_entry_jumppad:
0x0: {  	(pc) =	sbr.rel $0x88, $3  }
0x1: {  	(tag) =	ssettag $0x0;
	lr =	simm.s32 $0x1  }
0x2: {  	[smem:$0x3F9E] =	sst lr;
	_ =	strace $0xD0000000  }
0x3: {  	_ = 	snop  }
0x4: {  	_ = 	snop  }
0x5: {  	_ = 	snop  }
0x6: {  	_ = 	snop  }
0x7: {  	_ = 	snop  }
__scs_overlays_trampoline_lowered:
0x8: {  	[smem:$0x3FAD] =	sst s0  }
0x9: {  	[smem:$0x3FAE] =	sst s1  }
0xa: {  	[smem:$0x3FAF] =	sst s2  }
0xb: {  	[smem:$0x3FB0] =	sst s3  }
0xc: {  	[smem:$0x3FB1] =	sst s4  }
0xd: {  	[smem:$0x3FB2] =	sst s5  }
0xe: {  	[smem:$0x3FB3] =	sst s6  }
0xf: {  	[smem:$0x3FB4] =	sst s7  }
0x10: {  	[smem:$0x3FB5] =	sst s8  }
0x11: {  	[smem:$0x3FB6] =	sst s9;
	s0 =	simm.s32 @!p0 $0x0  }
0x12: {  	s1 =	sld [smem:$0x3F9C];
	s0 =	simm.s32 @p0 $0x1  }
0x13: {  	[smem:$0x3FB7] =	sst s0;
	s0 =	simm.s32 @!p1 $0x0  }
0x14: {  	s2 =	sld [smem:$0x3F9B];
	s0 =	simm.s32 @p1 $0x1  }
0x15: {  	[smem:$0x3FB8] =	sst s0;
	s0 =	simm.s32 @!p2 $0x0  }
0x16: {  	s3 =	sld [smem:$0x3FDB];
	s0 =	simm.s32 @p2 $0x1  }
0x17: {  	s4 =	simm.s32 $0x1BF5;
	[smem:$0x3FBA] =	sst s0  }
0x18: {  	s0 =	sld [smem:$0x3F9D];
	_ =	swait.ge [sflag:s4], $0x0  }
0x19: {  	s7 =	sld [smem:$0x3F9E]  }
0x1a: {  	s8 =	sadd.s32 $0xFFFFE003, lr  }
0x1b: {  	s9 =	sadd.s32 $0xFFFFFEF7, lr;
	s5 =	simm.s32 $0xFFFFFFFF;
	p2 =	slt.u32 s8, $0xFFFFF086  }
0x1c: {  	p1 =	slt.u32 s9, $0xF7A;
	s5 =	simm.s32 @!p2 $0x0  }
0x1d: {  	s5 =	simm.s32 @p1 $0x1;
	p0 =	seq.s32 s7, s2  }
0x1e: {  	s7 =	smul.u32 @!p0 $0xF7A, s2;
	p2 =	seq.s32 @!p0 s5, $0x0  }
0x1f: {  	s9 =	smul.u32 $0xF7A, s1;
	s8 =	simm.s32 @!p0 $0x1BF5;
	p2 =	por !p2, p0  }
0x20: {  	[sflag:s8] =	ssyncset.s32 @!p0 $0xFFFFF086;
	s6 =	sadd.s32 @!p0 s3, s7;
	s7 =	simm.s32 @!p0 $0x108  }
0x21: {  	s3 =	sadd.s32 s3, s9;
	s6 =	sadd.s32 @!p0 $0x88, s6;
	s7 =	simm.s32 @p2 $0x1082  }
0x22: {  	[simem:s7], [sflag:s8] =	dma.local @!p0 [hbm:s6], $0xF7A  }
0x23: {  	s9 =	sor.u32 $0xD0000000, s2;
	s6 =	simm.s32 $0x108;
	_ =	swait.ge @!p0 [sflag:s8], $0x0  }
0x24: {  	s3 =	sadd.s32 $0x88, s3;
	s6 =	simm.s32 @!p1 $0x1082;
	[sflag:s4] =	ssyncset.s32 $0xFFFFF086  }
0x25: {  	[simem:s6], [sflag:s4] =	dma.local [hbm:s3], $0xF7A  }
0x26: {  	[smem:$0x3F9E] =	sst s1;
	(tag) =	ssettag s2;
	_ =	strace s9  }
0x27: {  	s1 =	sld [smem:$0x3FAE]  }
0x28: {  	s2 =	sld [smem:$0x3FAF]  }
0x29: {  	s4 =	sld [smem:$0x3FB1]  }
0x2a: {  	p0 =	seq.s32 s5, $0x0;
	s5 =	sld [smem:$0x3FB2]  }
0x2b: {  	s6 =	sld [smem:$0x3FB3]  }
0x2c: {  	s7 =	sld [smem:$0x3FB4]  }
0x2d: {  	s3 =	simm.s32 $0x108;
	s8 =	sld [smem:$0x3FB5]  }
0x2e: {  	s3 =	simm.s32 @!p0 $0x1082;
	s9 =	sld [smem:$0x3FB6]  }
0x2f: {  	lr =	sadd.s32 s0, s3;
	s0 =	sld [smem:$0x3FAD]  }
0x30: {  	s3 =	sld [smem:$0x3FB0]  }
0x31: {  	[smem:$0x3FB9] =	sst s10  }
0x32: {  	s10 =	sld [smem:$0x3FB7];
	_ =	sdelay $0x3  }
0x33: {  	p0 =	seq.s32 s10, $0x1;
	s10 =	sld [smem:$0x3FB9];
	_ =	sdelay $0x3  }
0x34: {  	[smem:$0x3FB9] =	sst s10  }
0x35: {  	s10 =	sld [smem:$0x3FB8];
	_ =	sdelay $0x3  }
0x36: {  	p1 =	seq.s32 s10, $0x1;
	s10 =	sld [smem:$0x3FB9];
	_ =	sdelay $0x3  }
0x37: {  	[smem:$0x3FB9] =	sst s10  }
0x38: {  	s10 =	sld [smem:$0x3FBA]  }
0x39: {  	_ = 	snop;
	(pc) =	sbr.ind lr, $3  }
0x3a: {  	_ = 	snop  }
0x3b: {  	_ = 	snop  }
0x3c: {  	p2 =	seq.s32 s10, $0x1;
	s10 =	sld [smem:$0x3FB9]  }
0x3d: {  	_ =	shalt  }
0x3e: {  	_ =	shalt  }
0x3f: {  	_ =	shalt  }
0x40: {  	_ =	shalt  }
0x41: {  	_ =	shalt  }
0x42: {  	_ =	shalt  }
0x43: {  	_ =	shalt  }
0x44: {  	_ =	shalt  }
0x45: {  	_ =	shalt  }
0x46: {  	_ =	shalt  }
0x47: {  	_ =	shalt  }
0x48: {  	_ =	shalt  }
0x49: {  	_ =	shalt  }
0x4a: {  	_ =	shalt  }
0x4b: {  	_ =	shalt  }
0x4c: {  	_ =	shalt  }
0x4d: {  	_ =	shalt  }
0x4e: {  	_ =	shalt  }
0x4f: {  	_ =	shalt  }
0x50: {  	_ =	shalt  }
0x51: {  	_ =	shalt  }
0x52: {  	_ =	shalt  }
0x53: {  	_ =	shalt  }
0x54: {  	_ =	shalt  }
0x55: {  	_ =	shalt  }
0x56: {  	_ =	shalt  }
0x57: {  	_ =	shalt  }
0x58: {  	_ =	shalt  }
0x59: {  	_ =	shalt  }
0x5a: {  	_ =	shalt  }
0x5b: {  	_ =	shalt  }
0x5c: {  	_ =	shalt  }
0x5d: {  	_ =	shalt  }
0x5e: {  	_ =	shalt  }
0x5f: {  	_ =	shalt  }
0x60: {  	_ =	shalt  }
0x61: {  	_ =	shalt  }
0x62: {  	_ =	shalt  }
0x63: {  	_ =	shalt  }
0x64: {  	_ =	shalt  }
0x65: {  	_ =	shalt  }
0x66: {  	_ =	shalt  }
0x67: {  	_ =	shalt  }
0x68: {  	_ =	shalt  }
0x69: {  	_ =	shalt  }
0x6a: {  	_ =	shalt  }
0x6b: {  	_ =	shalt  }
0x6c: {  	_ =	shalt  }
0x6d: {  	_ =	shalt  }
0x6e: {  	_ =	shalt  }
0x6f: {  	_ =	shalt  }
0x70: {  	_ =	shalt  }
0x71: {  	_ =	shalt  }
0x72: {  	_ =	shalt  }
0x73: {  	_ =	shalt  }
0x74: {  	_ =	shalt  }
0x75: {  	_ =	shalt  }
0x76: {  	_ =	shalt  }
0x77: {  	_ =	shalt  }
0x78: {  	_ =	shalt  }
0x79: {  	_ =	shalt  }
0x7a: {  	_ =	shalt  }
0x7b: {  	_ =	shalt  }
0x7c: {  	_ =	shalt  }
0x7d: {  	_ =	shalt  }
0x7e: {  	_ =	shalt  }
0x7f: {  	_ =	shalt  }
0x80: {  	_ =	shalt  }
0x81: {  	_ =	shalt  }
0x82: {  	_ =	shalt  }
0x83: {  	_ =	shalt  }
0x84: {  	_ =	shalt  }
0x85: {  	_ =	shalt  }
0x86: {  	_ =	shalt  }
0x87: {  	_ =	shalt  }
.Lfunc_end0:
.L_simem_size_0:
called_computation_lowered:
.L_overlay_start_0:
0x88: {  	s2 =	sld [smem:$0x3FD9]  }
0x89: {  	s3 =	sld [smem:$0x3FFE];
	_ =	sdelay $0x1  }
0x8a: {  	s1 =	srdreg.scid  }
0x8b: {  	s0 =	sand.u32 $0x1, s1  }
0x8c: {  	s17 =	sshll.u32 s0, $0xA;
	s2 =	sadd.s32 s3, s2  }
0x8d: {  	s2 =	sadd.s32 s2, s17  }
0x8e: {  	[smem:$0x3FC5] =	sst s2  }
0x8f: {  	_ = 	snop  }
0x90: {  	s2 =	sld [smem:$0x3FC9];
	(tm) =	ssettm $0x1  }
0x91: {  	s18 =	sld [smem:$0x3FFB];
	_ =	sdelay $0x3  }
0x92: {  	_ =	strace s18  }
0x93: {  	s3 =	sld [smem:$0x3FFC];
	_ =	sdelay $0x3  }
0x94: {  	_ =	strace s3  }
0x95: {  	s3 =	sld [smem:$0x3FFD];
	_ =	sdelay $0x3  }
0x96: {  	_ =	strace s3  }
0x97: {  	_ =	strace $0x8FFFFFFF  }
0x98: {  	s19 =	sld [smem:$0x3FDB];
	_ =	sdelay $0x1  }
0x99: {  	s4 =	simm.s32 $_scs_section_size  }
0x9a: {  	s5 =	simm.s32 $_size__tile_overlayer_lowered;
	s6 =	simm.s32 $_tile_overlayer_lowered  }
0x9b: {  	s22 =	simm.s32 $0x1BFF;
	s21 =	sshll.u32 s6, $0x1;
	s3 =	sadd.s32 s4, s19  }
0x9c: {  	s7 =	simm.s32 $0x0;
	s20 =	sshll.u32 s5, $0x1;
	s5 =	sadd.s32 s21, s3  }
0x9d: {  	[timem:s7], [sflag:s22] =	dma.local [hbm:s5], s20  }
0x9e: {  	_ =	swait.ge [sflag:s22], s20  }
0x9f: {  	s4 =	ssub.s32 $0x0, s20;
	[sflag:s22] =	ssyncset.done $0x0  }
0xa0: {  	[sflag:s22] =	ssyncadd.s32 s4;
	_ =	sdelay $0x1  }
0xa1: {  	s23 =	simm.s32 $0x1B8B  }
0xa2: {  	_ =	swait.ge [sflag:s23], $0x1  }
0xa3: {  	[sflag:s23] =	ssyncset.done $0x0  }
0xa4: {  	s25 =	simm.s32 $0x1B8E;
	s24 =	sld [smem:$0x3FFE];
	[sflag:s23] =	ssyncadd.s32 $0xFFFFFFFF  }
0xa5: {  	s26 =	simm.s32 $execute0_lowered;
	[smem:$0x3FD2] =	sst s25  }
0xa6: {  	s5 =	sshll.u32 s26, $0x1;
	_ =	strace $0x80000046;
	[dreg:$0x1] =	wrdreg $0xFFFFFFFF  }
0xa7: {  	s28 =	simm.s32 $_size_execute0_lowered;
	s3 =	sadd.s32 s3, s5;
	[dreg:$0x0] =	wrdreg $0x0  }
0xa8: {  	s5 =	sshll.u32 s28, $0x1;
	[dreg:$0x2] =	wrdreg s3  }
0xa9: {  	[dreg:$0x3] =	wrdreg s5  }
0xaa: {  	[dreg:$0x4] =	wrdreg $0xC0  }
0xab: {  	_ =	task [dreg:s7], $0x5FFFF  }
0xac: {  	[dreg:$0x1] =	wrdreg $0xFFFFFFFF  }
0xad: {  	[dreg:$0x0] =	wrdreg $0x60  }
0xae: {  	[dreg:$0x2] =	wrdreg s2  }
0xaf: {  	[dreg:$0x3] =	wrdreg s24  }
0xb0: {  	[dreg:$0x4] =	wrdreg $0x9  }
0xb1: {  	_ =	task.clear_ibuf [dreg:s7], $0x5FFFF;
	_ =	strace $0x90000046  }
0xb2: {  	s29 =	simm.s32 $0x9;
	_ =	strace $0x80000048  }
0xb3: {  	_ =	swait.ge [sflag:s29], $0x1  }
0xb4: {  	[sflag:s29] =	ssyncadd.s32 $0xFFFFFFFF  }
0xb5: {  	_ =	strace $0x90000048  }
0xb6: {  	_ =	sfence  }
0xb7: {  	s30 =	sld [smem:$0x0];
	_ =	sdelay $0x2  }
0xb8: {  	s31 =	sshll.u32 s1, $0xD;
	s1 =	sshrl.u32 s1, $0x2  }
0xb9: {  	s3 =	sand.u32 $0x4000, s31;
	s1 =	sadd.s32 s1, s30  }
0xba: {  	s0 =	sor.u32 s3, s0;
	s1 =	sshll.u32 s1, $0x11  }
0xbb: {  	s0 =	sor.u32 s1, s0  }
0xbc: {  	s0 =	sadd.s32 $0x8F2B, s0  }
0xbd: {  	[sflag:s0] =	ssyncadd.remote.s32 $0x1  }
0xbe: {  	_ =	sfence.sel $0xFFFF  }
0xbf: {  	[dreg:$0x0] =	wrdreg $0xFFFFFFFF;
	(pc) =	sbr.abs _section_cstart, $3  }
0xc0: {  	[dreg:$0x1] =	wrdreg $0xFFFFFFFF  }
0xc1: {  	_ =	task.clear_ibuf [dreg:s7], $0x2FFFF;
	_ =	strace $0x9FFFFFFF  }
0xc2: {  	(tm) =	ssettm $0x7FFFFFFF  }
0xc3: {  	_ =	shalt  }
tec
execute0_lowered:
.L_overlay_start_1:
0x0: {  	(tag) =	ssettag $0x1  }
0x1: {  	s1 =	srdreg.scid;
	s2 =	rddreg [dreg:$0x0]  }
0x2: {  	s0 =	stileid.u32;
	s6 =	rddreg [dreg:$0x1]  }
0x3: {  	s3 =	simm.s32 $0x0;
	s11 =	simm.s32 $0x48;
	s12 =	simm.s32 $0x1  }
0x4: {  	s13 =	simm.s32 $0xD80;
	s5 =	sand.u32 $0x1, s1;
	s31 =	sshll.u32 s0, $0x1  }
0x5: {  	s14 =	simm.s32 $0x0;
	s1 =	rddreg [dreg:$0x2];
	s7 =	sor.u32 s5, s31  }
0x6: {  	[smem:$0x7FF] =	sst s3;
	s5 =	ssub.s32 $0x2, s5;
	s8 =	smul.u32 $0x24, s7  }
0x7: {  	s4 =	smul.u32 $0x90, s7;
	s7 =	sshll.u32 s7, $0x4;
	s10 =	sshrl.u32 s5, $0x1  }
0x8: {  	_ =	strace $0x80000047;
	s7 =	sadd.s32 s7, s6;
	s10 =	ssub.s32 s5, s10  }
0x9: {  	s8 =	sadd.s32 s8, s6;
	s9 =	sshrl.u32 s4, $0x3;
	s7 =	sadd.s32 $0x1000, s7  }
0xa: {  	v1 =	vlaneseq.u32;
	s9 =	sadd.s32 s9, s6;
	s5 =	sadd.s32 $0x600, s8;
	s8 =	smax.u32 s10, $0x1  }
0xb: {  	vm0 =	vmxor vm0, vm0;
	v2 =	vimm.s32 $0x0;
	v0 =	vmov s4;
	s10 =	simm.s32 $0x180;
	s6 =	sadd.s32 $0xC00, s9;
	s9 =	simm.s32 $0x2  }
.LBB2_1:
0xc: {  	[tilespmem:s3], [sflag:$0x2] =	stream.linear.gather [hbm4b:s5+s3], $0x120, $0x38;
	[tilespmem:$0xE00] =	vst v63  }
0xd: {  	_ =	swait.ge [sflag:s9], $0x120  }
0xe: {  	v3 =	vor.u32 s3, v1;
	[sflag:s9] =	ssyncset.done $0x0  }
0xf: {  	v4 =	vshll.u32 v3, $0x1;
	[sflag:s9] =	ssyncadd.s32 $0xFFFFFEE0  }
0x10: {  	v5 =	vor.u32 $0x1, v4;
	[tilespmem:s10], [sflag:$0x2] =	stream.linear.gather [hbm4b:s6+s3], $0x90, $0x38;
	[tilespmem:$0xE00] =	vst v63  }
0x11: {  	_ =	swait.ge [sflag:s9], $0x90  }
0x12: {  	v3 =	vadd.s32 v0, v3;
	[sflag:s9] =	ssyncset.done $0x0  }
0x13: {  	vm1 =	vlt.s32 v3, $0x10FF;
	[sflag:s9] =	ssyncadd.s32 $0xFFFFFF70  }
0x14: {  	v3 =	vnsel vm1, $0x10FF, v3;
	v4 =	vld.idx.msk [tilespmem:v4+s3+$0x0], $0xffff  }
0x15: {  	v6 =	vmul.u32 $0x1E1F, v3;
	v5 =	vld.idx.msk [tilespmem:v5+s3+$0x0], $0xffff;
	_ =	sdelay $0x1  }
0x16: {  	v7 =	vshrl.u32 v6, $0x11  }
0x17: {  	v6 =	vshrl.u32 v6, $0xE;
	v8 =	vmul.u32 $0xFFFFFFEF, v7  }
0x18: {  	v6 =	vand.u32 $0x1FC00, v6;
	v7 =	vand.u32 $0x7F, v7;
	v9 =	vmul.f32 $1.250000000e-01, v4  }
0x19: {  	v3 =	vadd.s32 v3, v8;
	v10 =	vmul.f32 $6.250000000e-02, v4;
	v11 =	vmul.f32 $1.250000000e-01, v5  }
0x1a: {  	v8 =	vmul.u32 $0x627000, v3;
	v4 =	vmul.f32 $3.125000000e-02, v4;
	v12 =	vmul.f32 $6.250000000e-02, v5  }
0x1b: {  	v6 =	vor.u32 v7, v6;
	v13 =	vmul.f32 $3.125000000e-02, v5;
	v10 =	vtrunc.f32 v10  }
0x1c: {  	v3 =	vadd.s32 $0xE5B000, v8;
	v11 =	vtrunc.f32 v11;
	v7 =	vtrunc.f32 v4  }
0x1d: {  	v5 =	vadd.s32 $0xA41000, v8;
	v9 =	vtrunc.f32 v9;
	v12 =	vtrunc.f32 v12  }
0x1e: {  	v4 =	vadd.s32 $0xC4E000, v8;
	v8 =	vtrunc.f32 v13;
	v7 =	vcvt.f32.s32 v7  }
0x1f: {  	v14 =	vcvt.f32.s32 v10;
	v10 =	vcvt.f32.s32 v9  }
0x20: {  	v8 =	vcvt.f32.s32 v8;
	v9 =	vcvt.f32.s32 v12;
	vm1 =	vlt.s32 v7, $0x13  }
0x21: {  	s17 =	simm.s32 $0x240;
	s18 =	simm.s32 $0x0;
	v11 =	vcvt.f32.s32 v11;
	vm2 =	vlt.s32 v14, $0x27;
	v7 =	vnsel vm1, $0x13, v7  }
0x22: {  	s19 =	simm.s32 $0x0;
	s16 =	simm.s32 $0x0;
	s15 =	simm.s32 $0x0;
	vm1 =	vlt.s32 v10, $0x4F;
	v12 =	vnsel vm2, $0x27, v14;
	v7 =	vmul.u32 $0x14, v7  }
.LBB2_2:
0x23: {  	p0 =	sne.s32 s17, $0x1200;
	v10 =	vnsel vm1, $0x4F, v10;
	vm1 =	vlt.s32 v9, $0x27;
	v12 =	vmul.u32 $0x28, v12;
	s18 =	sadd.s32 $0x90, s18;
	s19 =	sadd.s32 $0x10, s19  }
0x24: {  	s20 =	smov.u32 s17;
	s17 =	sadd.s32 $0x240, s17;
	vm2 =	vlt.s32 v11, $0x4F;
	v10 =	vmul.u32 $0x50, v10;
	v9 =	vnsel vm1, $0x27, v9  }
0x25: {  	v11 =	vnsel vm2, $0x4F, v11;
	v12 =	vadd.s32 v9, v12;
	v9 =	vshll.u32 v9, $0x7  }
0x26: {  	v10 =	vadd.s32 v11, v10;
	v11 =	vshll.u32 v11, $0x7;
	v12 =	vshll.u32 v12, $0x8  }
0x27: {  	v9 =	vand.u32 $0x380, v9;
	v10 =	vshll.u32 v10, $0x8;
	v12 =	vand.u32 $0xFFFFF800, v12  }
0x28: {  	v11 =	vand.u32 $0x380, v11;
	v9 =	vor.u32 v9, v6;
	v10 =	vand.u32 $0xFFFFF800, v10  }
0x29: {  	v13 =	vor.u32 s19, v1;
	vm1 =	vlt.s32 v8, $0x13;
	v10 =	vor.u32 v11, v10  }
0x2a: {  	v8 =	vnsel vm1, $0x13, v8;
	v11 =	vshll.u32 v13, $0x1;
	v10 =	vadd.s32 v6, v10  }
0x2b: {  	s21 =	sshra.s32 s16, $0x2;
	s16 =	smov.u32 s20;
	v14 =	vor.u32 $0x1, v11;
	v15 =	vadd.s32 v5, v10;
	v16 =	vadd.s32 v4, v10  }
0x2c: {  	v7 =	vadd.s32 v8, v7;
	v9 =	vadd.s32 v12, v9;
	v10 =	vadd.s32 v3, v10;
	[tilespmem:s21+$0x280] =	vst v15  }
0x2d: {  	v8 =	vadd.s32 $0x190000, v9;
	v9 =	vshll.u32 v7, $0x8;
	v7 =	vshll.u32 v7, $0x7;
	[tilespmem:s21+$0x2A0] =	vst v10  }
0x2e: {  	v12 =	vadd.s32 v4, v8;
	v9 =	vand.u32 $0xFFFFF800, v9;
	v10 =	vadd.s32 v5, v8  }
0x2f: {  	v7 =	vand.u32 $0x380, v7;
	v6 =	vadd.s32 v9, v6;
	v8 =	vadd.s32 v3, v8;
	[tilespmem:s21+$0x290] =	vst v16  }
0x30: {  	v9 =	vadd.s32 v0, v13;
	v6 =	vor.u32 v7, v6;
	[tilespmem:s21+$0x2C0] =	vst v12  }
0x31: {  	vm1 =	vlt.s32 v9, $0x10FF;
	v6 =	vadd.s32 $0x1F4000, v6;
	[tilespmem:s21+$0x2D0] =	vst v8  }
0x32: {  	v7 =	vnsel vm1, $0x10FF, v9;
	v5 =	vadd.s32 v5, v6;
	v4 =	vadd.s32 v4, v6;
	[tilespmem:s21+$0x2B0] =	vst v10  }
0x33: {  	v3 =	vadd.s32 v3, v6;
	v8 =	vmul.u32 $0x1E1F, v7;
	[tilespmem:s21+$0x2E0] =	vst v5  }
0x34: {  	s20 =	sand.u32 $0xFF0, s15;
	s15 =	smov.u32 s18;
	[tilespmem:s21+$0x2F0] =	vst v4  }
0x35: {  	s22 =	sadd.s32 $0x280, s21;
	v5 =	vshrl.u32 v8, $0xE;
	v4 =	vshrl.u32 v8, $0x11;
	[tilespmem:s20+$0x300] =	vst v3;
	s20 =	sadd.s32 $0x800, s21  }
0x36: {  	v5 =	vand.u32 $0x1FC00, v5;
	v3 =	vmul.u32 $0xFFFFFFEF, v4;
	v4 =	vand.u32 $0x7F, v4;
	[tilespmem:s20], [sflag:$0x1] =	stream.indirect.gather [hbm4b:s2+s11], $0x1, s22, s11, $0xb8;
	[tilespmem:$0xE00] =	vst v63  }
0x37: {  	s20 =	sadd.s32 $0x848, s21;
	s21 =	sadd.s32 $0x2C8, s21  }
0x38: {  	v3 =	vadd.s32 v7, v3;
	[tilespmem:s20], [sflag:$0x1] =	stream.indirect.gather [hbm4b:s2+s11], $0x1, s21, s11, $0xb8;
	[tilespmem:$0xE00] =	vst v63  }
0x39: {  	v7 =	vmul.u32 $0x627000, v3;
	v6 =	vld.idx.msk [tilespmem:v11+s3+$0x0], $0xffff  }
0x3a: {  	v8 =	vld.idx.msk [tilespmem:v14+s3+$0x0], $0xffff;
	_ =	sdelay $0x4  }
0x3b: {  	v9 =	vmul.f32 $1.250000000e-01, v6;
	v10 =	vmul.f32 $6.250000000e-02, v6  }
0x3c: {  	v12 =	vmul.f32 $3.125000000e-02, v6;
	v11 =	vmul.f32 $1.250000000e-01, v8  }
0x3d: {  	v3 =	vadd.s32 $0xE5B000, v7;
	v13 =	vmul.f32 $6.250000000e-02, v8;
	v10 =	vtrunc.f32 v10  }
0x3e: {  	v6 =	vor.u32 v4, v5;
	v5 =	vtrunc.f32 v12;
	v11 =	vtrunc.f32 v11  }
0x3f: {  	v4 =	vadd.s32 $0xC4E000, v7;
	v8 =	vmul.f32 $3.125000000e-02, v8;
	v12 =	vcvt.f32.s32 v5  }
.Ltmp0:
0x40: {  	v9 =	vtrunc.f32 v9;
	v5 =	vadd.s32 $0xA41000, v7;
	v14 =	vcvt.f32.s32 v10;
	(pc) =	sbr.rel @p0 .LBB2_2-.Ltmp0, $4  }
0x41: {  	v7 =	vtrunc.f32 v13;
	v8 =	vtrunc.f32 v8;
	vm1 =	vlt.s32 v12, $0x13  }
0x42: {  	v10 =	vcvt.f32.s32 v9;
	v8 =	vcvt.f32.s32 v8;
	v12 =	vnsel vm1, $0x13, v12  }
0x43: {  	v9 =	vcvt.f32.s32 v7;
	vm2 =	vlt.s32 v14, $0x27;
	v7 =	vmul.u32 $0x14, v12  }
0x44: {  	v11 =	vcvt.f32.s32 v11;
	vm1 =	vlt.s32 v10, $0x4F;
	v12 =	vnsel vm2, $0x27, v14  }
0x45: {  	v10 =	vnsel vm1, $0x4F, v10;
	vm1 =	vlt.s32 v9, $0x27  }
0x46: {  	v12 =	vmul.u32 $0x28, v12;
	vm2 =	vlt.s32 v11, $0x4F;
	v10 =	vmul.u32 $0x50, v10  }
0x47: {  	v9 =	vnsel vm1, $0x27, v9;
	v11 =	vnsel vm2, $0x4F, v11  }
0x48: {  	vm1 =	vlt.s32 v8, $0x13;
	v12 =	vadd.s32 v9, v12;
	v10 =	vadd.s32 v11, v10  }
0x49: {  	v9 =	vshll.u32 v9, $0x7;
	v11 =	vshll.u32 v11, $0x7;
	v10 =	vshll.u32 v10, $0x8  }
0x4a: {  	v8 =	vnsel vm1, $0x13, v8;
	v11 =	vand.u32 $0x380, v11;
	v10 =	vand.u32 $0xFFFFF800, v10  }
0x4b: {  	v12 =	vshll.u32 v12, $0x8;
	v9 =	vand.u32 $0x380, v9;
	v10 =	vor.u32 v11, v10  }
0x4c: {  	v12 =	vand.u32 $0xFFFFF800, v12;
	v9 =	vor.u32 v9, v6;
	v10 =	vadd.s32 v6, v10  }
0x4d: {  	s16 =	sshra.s32 s16, $0x2;
	v7 =	vadd.s32 v8, v7;
	v9 =	vadd.s32 v12, v9;
	v11 =	vadd.s32 v5, v10  }
0x4e: {  	v13 =	vadd.s32 v4, v10;
	v8 =	vadd.s32 v3, v10;
	v10 =	vshll.u32 v7, $0x8;
	[tilespmem:s16+$0x280] =	vst v11  }
0x4f: {  	v7 =	vshll.u32 v7, $0x7;
	[tilespmem:s16+$0x2A0] =	vst v8;
	v8 =	vadd.s32 $0x190000, v9;
	v9 =	vand.u32 $0xFFFFF800, v10  }
0x50: {  	[tilespmem:s16+$0x290] =	vst v13;
	v7 =	vand.u32 $0x380, v7;
	v10 =	vadd.s32 v4, v8;
	v6 =	vadd.s32 v9, v6  }
0x51: {  	v9 =	vadd.s32 v3, v8;
	[tilespmem:s16+$0x2C0] =	vst v10;
	v6 =	vor.u32 v7, v6  }
0x52: {  	v7 =	vadd.s32 v5, v8;
	[tilespmem:s16+$0x2D0] =	vst v9;
	v6 =	vadd.s32 $0x1F4000, v6  }
0x53: {  	[tilespmem:s16+$0x2B0] =	vst v7;
	v5 =	vadd.s32 v5, v6  }
0x54: {  	v4 =	vadd.s32 v4, v6;
	[tilespmem:s16+$0x2E0] =	vst v5  }
0x55: {  	s15 =	sand.u32 $0xFF0, s15;
	v3 =	vadd.s32 v3, v6;
	[tilespmem:s16+$0x2F0] =	vst v4  }
0x56: {  	s17 =	sadd.s32 $0x280, s16;
	s25 =	sadd.s32 $0x800, s16;
	[tilespmem:s15+$0x300] =	vst v3  }
0x57: {  	[tilespmem:s25], [sflag:$0x1] =	stream.indirect.gather [hbm4b:s2+s11], $0x1, s17, s11, $0xb8;
	[tilespmem:$0xE00] =	vst v63  }
0x58: {  	s26 =	sadd.s32 $0x848, s16;
	s16 =	sadd.s32 $0x2C8, s16  }
0x59: {  	[tilespmem:s26], [sflag:$0x1] =	stream.indirect.gather [hbm4b:s2+s11], $0x1, s16, s11, $0xb8;
	[tilespmem:$0xE00] =	vst v63  }
0x5a: {  	_ =	swait.ge [sflag:s12], $0x510  }
0x5b: {  	[sflag:s12] =	ssyncset.done $0x0  }
0x5c: {  	s28 =	simm.s32 $0x840;
	[sflag:s12] =	ssyncadd.s32 $0xFFFFFAF0  }
0x5d: {  	v6 =	vld [tilespmem:s28+$0xFFFFFFE0];
	_ =	sdelay $0x2  }
0x5e: {  	v7 =	vld [tilespmem:s28+$0x10];
	_ =	sdelay $0x1  }
0x5f: {  	s29 =	simm.s32 $0x0;
	v8 =	vsub.f32 $1.000000000e+00, v6;
	v3 =	vand.u32 $0x7FFFFF, v6  }
0x60: {  	v15 =	vor.u32 s29, v1;
	v9 =	vor.u32 $0x3F800000, v3  }
0x61: {  	vm1 =	vmmov vm0;
	v3 =	vand.u32 $0x7FFFFF, v8;
	v4 =	vmul.f32 $4.342890900e-02, v9  }
0x62: {  	s31 =	sadd.s32 $0x0, s4;
	v21 =	vshll.u32 v15, $0x1;
	v10 =	vor.u32 $0x3F800000, v3;
	v3 =	vand.u32 $0x7FFFFF, v7  }
0x63: {  	p0 =	slt.u32 s31, $0x1100;
	v5 =	vmul.f32 $4.342890900e-02, v10;
	v4 =	vadd.f32 $-4.048671720e-01, v4;
	v12 =	vor.u32 $0x3F800000, v3  }
0x64: {  	vm1 =	vmneg @p0 vm1;
	v17 =	vsub.f32 $1.000000000e+00, v7;
	v13 =	vmul.f32 $4.342890900e-02, v12  }
0x65: {  	s30 =	sand.u32 $0xFF0, s29;
	v6 =	vshrl.u32 v6, $0x17;
	v5 =	vadd.f32 $-4.048671720e-01, v5;
	v14 =	vmul.f32 v9, v4  }
0x66: {  	v22 =	vor.u32 $0x1, v21;
	v11 =	vld [tilespmem:s30+$0x880];
	v6 =	vadd.s32 $0xFFFFFF81, v6;
	v13 =	vadd.f32 $-4.048671720e-01, v13  }
0x67: {  	v18 =	vand.u32 $0x7FFFFF, v17;
	v16 =	vmul.f32 v10, v5;
	v14 =	vadd.f32 $1.593901400e+00, v14  }
0x68: {  	v23 =	vshrl.u32 v8, $0x17;
	v18 =	vor.u32 $0x3F800000, v18;
	v13 =	vmul.f32 v12, v13  }
0x69: {  	v7 =	vshrl.u32 v7, $0x17;
	v16 =	vadd.f32 $1.593901400e+00, v16;
	v14 =	vmul.f32 v9, v14  }
0x6a: {  	v20 =	vmul.f32 $4.342890900e-02, v18;
	v7 =	vadd.s32 $0xFFFFFF81, v7;
	v13 =	vadd.f32 $1.593901400e+00, v13  }
0x6b: {  	v4 =	vshrl.u32 v11, $0x17;
	v16 =	vmul.f32 v10, v16;
	v14 =	vadd.f32 $-3.492494340e+00, v14  }
0x6c: {  	v20 =	vadd.f32 $-4.048671720e-01, v20;
	v5 =	vsub.f32 $1.000000000e+00, v11;
	v13 =	vmul.f32 v12, v13  }
0x6d: {  	v11 =	vand.u32 $0x7FFFFF, v11;
	v16 =	vadd.f32 $-3.492494340e+00, v16;
	v14 =	vmul.f32 v9, v14  }
0x6e: {  	v54 =	vld.idx.msk [tilespmem:v21+s3+$0x0], $0xffff;
	v7 =	vcvt.s32.f32 v7;
	v55 =	vor.u32 $0x3F800000, v11;
	v13 =	vadd.f32 $-3.492494340e+00, v13  }
0x6f: {  	v11 =	vld [tilespmem:s28+$0xFFFFFFC0];
	v16 =	vmul.f32 v10, v16;
	v8 =	vadd.f32 $5.046875950e+00, v14;
	v14 =	vmul.f32 v18, v20  }
0x70: {  	v19 =	vand.u32 $0x7FFFFF, v5;
	v24 =	vmul.f32 $4.342890900e-02, v55;
	v13 =	vmul.f32 v12, v13  }
0x71: {  	v22 =	vld.idx.msk [tilespmem:v22+s3+$0x0], $0xffff;
	v16 =	vadd.f32 $5.046875950e+00, v16;
	v9 =	vmul.f32 v9, v8;
	v14 =	vadd.f32 $1.593901400e+00, v14  }
0x72: {  	v58 =	vld [tilespmem:s28+$0x0];
	v8 =	vor.u32 $0x3F800000, v19;
	v19 =	vcvt.s32.f32 v6;
	v13 =	vadd.f32 $5.046875950e+00, v13  }
0x73: {  	v3 =	vimm.f32 $0.0e+00;
	v10 =	vmul.f32 v10, v16;
	v6 =	vmul.f32 v18, v14  }
0x74: {  	v11 =	vsub.f32 v11, v54;
	v9 =	vadd.f32 $-2.786813020e+00, v9;
	v12 =	vmul.f32 v12, v13  }
0x75: {  	v14 =	vadd.s32 $0xFFFFFF81, v23;
	v10 =	vadd.f32 $-2.786813020e+00, v10;
	v6 =	vadd.f32 $-3.492494340e+00, v6  }
0x76: {  	v16 =	vld [tilespmem:s28+$0xFFFFFFF0];
	v14 =	vcvt.s32.f32 v14;
	v9 =	vadd.f32 v19, v9;
	v12 =	vadd.f32 $-2.786813020e+00, v12  }
0x77: {  	v19 =	vsub.f32 v58, v22;
	v56 =	vmul.f32 v18, v6;
	v6 =	vmul.f32 $4.342890900e-02, v8  }
0x78: {  	v25 =	vld [tilespmem:s28+$0xFFFFFFD0];
	v60 =	vmul.f32 v11, v11;
	v10 =	vadd.f32 v14, v10;
	v7 =	vadd.f32 v7, v12  }
0x79: {  	v9 =	vmul.f32 $6.931471820e-01, v9;
	v12 =	vshrl.u32 v17, $0x17;
	v17 =	vld [tilespmem:s28+$0x30];
	v26 =	vadd.f32 $-4.048671720e-01, v6  }
0x7a: {  	v6 =	vld.idx.msk [tilespmem:v15+s10+$0x0], $0xffff;
	v15 =	vadd.f32 $-4.048671720e-01, v24;
	v23 =	vadd.f32 $5.046875950e+00, v56;
	v7 =	vmul.f32 $6.931471820e-01, v7  }
0x7b: {  	v16 =	vsub.f32 v16, v54;
	v12 =	vadd.s32 $0xFFFFFF81, v12;
	v57 =	vmul.f32 v8, v26  }
0x7c: {  	v59 =	vmax.f32 v7, $-1.000000000e+02;
	v7 =	vmul.f32 v55, v15;
	v15 =	vmul.f32 v18, v23  }
0x7d: {  	v13 =	vld [tilespmem:s28+$0x20];
	v16 =	vmul.f32 v16, v16;
	v18 =	vsub.f32 v25, v22;
	v20 =	vadd.f32 $1.593901400e+00, v57  }
0x7e: {  	v12 =	vcvt.s32.f32 v12;
	v7 =	vadd.f32 $1.593901400e+00, v7;
	v11 =	vadd.f32 $-2.786813020e+00, v15  }
0x7f: {  	v15 =	vsub.f32 v17, v22;
	vm2 =	vgt.f32 v6, $0.0e+00;
	v17 =	vmul.f32 v18, v18  }
0x80: {  	v20 =	vmul.f32 v8, v20;
	v18 =	vmul.f32 v55, v7;
	v11 =	vadd.f32 v12, v11  }
0x81: {  	v12 =	vsel vm2, $0x3F800000, v2;
	v7 =	vsel vm1, $0x3F800000, v2;
	v14 =	vmul.f32 v15, v15  }
0x82: {  	v13 =	vsub.f32 v13, v54;
	v61 =	vmul.f32 $6.931471820e-01, v11;
	v11 =	vmul.f32 v12, v7  }
0x83: {  	v12 =	vadd.f32 v17, v60;
	v15 =	vadd.f32 $-3.492494340e+00, v18;
	v18 =	vmul.f32 v19, v19  }
0x84: {  	v13 =	vmul.f32 v13, v13;
	v20 =	vadd.f32 $-3.492494340e+00, v20;
	v17 =	vmax.f32 v61, $-1.000000000e+02  }
0x85: {  	v19 =	vmul.f32 v12, v11;
	v15 =	vmul.f32 v55, v15;
	v16 =	vadd.f32 v18, v16  }
0x86: {  	v10 =	vmul.f32 $6.931471820e-01, v10;
	v14 =	vadd.f32 v14, v13;
	v12 =	vsub.f32 v59, v17  }
0x87: {  	v62 =	vadd.f32 $5.046875950e+00, v15;
	v19 =	vadd.f32 v19, v3;
	v63 =	vmul.f32 v16, v11  }
0x88: {  	v16 =	vmax.f32 v9, $-1.000000000e+02;
	v9 =	vimm.f32 $0.0e+00;
	v18 =	vmul.f32 v12, v6  }
0x89: {  	v12 =	vmax.f32 v10, $-1.000000000e+02;
	v10 =	vmul.f32 v14, v11;
	v13 =	vmul.f32 v55, v62  }
0x8a: {  	s18 =	simm.s32 $0x10;
	s15 =	simm.s32 $0x90;
	s16 =	simm.s32 $0x8D0;
	v14 =	vadd.f32 v63, v19;
	v15 =	vadd.f32 v18, v17;
	v17 =	vmul.f32 v8, v20  }
.LBB2_4:
0x8b: {  	s19 =	sadd.s32 s4, s18;
	v3 =	vadd.f32 v11, v3  }
0x8c: {  	v18 =	vld [tilespmem:s16+$0xFFFFFFE0];
	s20 =	sand.u32 $0xFF0, s15;
	v16 =	vsub.f32 v16, v12;
	v11 =	vmul.f32 v7, v15;
	s21 =	smov.u32 s18;
	s17 =	sadd.s32 $0x10, s18;
	v5 =	vshrl.u32 v5, $0x17  }
0x8d: {  	p0 =	sne.s32 s18, $0x80;
	vm1 =	vmmov vm0;
	p1 =	slt.u32 s19, $0x1100;
	v15 =	vld [tilespmem:s20+$0x880];
	v17 =	vadd.f32 $5.046875950e+00, v17;
	v10 =	vadd.f32 v10, v14  }
0x8e: {  	v5 =	vadd.s32 $0xFFFFFF81, v5;
	vm1 =	vmneg @p1 vm1;
	v14 =	vld [tilespmem:s16+$0x10];
	v16 =	vmul.f32 v16, v6  }
0x8f: {  	v4 =	vadd.s32 $0xFFFFFF81, v4;
	v8 =	vmul.f32 v8, v17;
	v17 =	vcvt.s32.f32 v5  }
0x90: {  	v19 =	vor.u32 s21, v1;
	v12 =	vadd.f32 v16, v12;
	v16 =	vcvt.s32.f32 v4  }
0x91: {  	v4 =	vand.u32 $0x7FFFFF, v18;
	v20 =	vsub.f32 $1.000000000e+00, v18;
	v8 =	vadd.f32 $-2.786813020e+00, v8  }
0x92: {  	v21 =	vor.u32 $0x3F800000, v4;
	v4 =	vshrl.u32 v15, $0x17;
	v5 =	vsub.f32 $1.000000000e+00, v15  }
0x93: {  	v22 =	vmul.f32 $4.342890900e-02, v21;
	v23 =	vand.u32 $0x7FFFFF, v20;
	v8 =	vadd.f32 v17, v8  }
0x94: {  	v13 =	vadd.f32 $-2.786813020e+00, v13;
	v17 =	vor.u32 $0x3F800000, v23;
	v23 =	vand.u32 $0x7FFFFF, v14  }
0x95: {  	v24 =	vld.idx.msk [tilespmem:v19+s10+$0x0], $0xffff;
	v22 =	vadd.f32 $-4.048671720e-01, v22;
	v25 =	vmul.f32 $4.342890900e-02, v17;
	v8 =	vmul.f32 $6.931471820e-01, v8  }
0x96: {  	v18 =	vshrl.u32 v18, $0x17;
	v26 =	vand.u32 $0x7FFFFF, v5;
	v23 =	vor.u32 $0x3F800000, v23  }
0x97: {  	v13 =	vadd.f32 v16, v13;
	v22 =	vmul.f32 v21, v22;
	v25 =	vadd.f32 $-4.048671720e-01, v25  }
0x98: {  	v27 =	vsub.f32 $1.000000000e+00, v14;
	v16 =	vmul.f32 $4.342890900e-02, v23;
	v28 =	vmax.f32 v8, $-1.000000000e+02  }
0x99: {  	v8 =	vshll.u32 v19, $0x1;
	v19 =	vadd.f32 $1.593901400e+00, v22;
	v22 =	vmul.f32 v17, v25  }
0x9a: {  	v13 =	vmul.f32 $6.931471820e-01, v13;
	v29 =	vand.u32 $0x7FFFFF, v27;
	v16 =	vadd.f32 $-4.048671720e-01, v16;
	v25 =	vld [tilespmem:s16+$0x0]  }
0x9b: {  	v15 =	vand.u32 $0x7FFFFF, v15;
	v19 =	vmul.f32 v21, v19;
	v22 =	vadd.f32 $1.593901400e+00, v22  }
0x9c: {  	v29 =	vor.u32 $0x3F800000, v29;
	v30 =	vor.u32 $0x1, v8;
	v16 =	vmul.f32 v23, v16  }
0x9d: {  	v12 =	vmul.f32 v7, v12;
	v19 =	vadd.f32 $-3.492494340e+00, v19;
	v22 =	vmul.f32 v17, v22  }
0x9e: {  	v13 =	vmax.f32 v13, $-1.000000000e+02;
	v31 =	vmul.f32 $4.342890900e-02, v29;
	v16 =	vadd.f32 $1.593901400e+00, v16  }
0x9f: {  	v13 =	vsub.f32 v13, v28;
	v32 =	vld.idx.msk [tilespmem:v8+s3+$0x0], $0xffff;
	v8 =	vmul.f32 v21, v19;
	v19 =	vadd.f32 $-3.492494340e+00, v22  }
0xa0: {  	v20 =	vshrl.u32 v20, $0x17;
	v16 =	vmul.f32 v23, v16;
	v22 =	vadd.f32 $-4.048671720e-01, v31  }
0xa1: {  	v14 =	vshrl.u32 v14, $0x17;
	v8 =	vadd.f32 $5.046875950e+00, v8;
	v19 =	vmul.f32 v17, v19  }
0xa2: {  	v13 =	vmul.f32 v13, v6;
	v6 =	vmovc v24;
	v16 =	vadd.f32 $-3.492494340e+00, v16;
	v22 =	vmul.f32 v29, v22  }
0xa3: {  	v18 =	vadd.s32 $0xFFFFFF81, v18;
	v21 =	vmul.f32 v21, v8;
	v19 =	vadd.f32 $5.046875950e+00, v19  }
0xa4: {  	v16 =	vmul.f32 v23, v16;
	v22 =	vadd.f32 $1.593901400e+00, v22;
	v8 =	vor.u32 $0x3F800000, v26  }
0xa5: {  	v18 =	vcvt.s32.f32 v18;
	v21 =	vadd.f32 $-2.786813020e+00, v21;
	v17 =	vmul.f32 v17, v19  }
0xa6: {  	v13 =	vadd.f32 v13, v28;
	v16 =	vadd.f32 $5.046875950e+00, v16;
	v22 =	vmul.f32 v29, v22;
	v19 =	vld [tilespmem:s16+$0xFFFFFFF0]  }
0xa7: {  	v20 =	vadd.s32 $0xFFFFFF81, v20;
	v14 =	vadd.s32 $0xFFFFFF81, v14;
	v17 =	vadd.f32 $-2.786813020e+00, v17  }
0xa8: {  	v24 =	vor.u32 $0x3F800000, v15;
	v16 =	vmul.f32 v23, v16;
	v22 =	vadd.f32 $-3.492494340e+00, v22;
	v23 =	vld [tilespmem:s16+$0x20]  }
0xa9: {  	v9 =	vsub.f32 v9, v12;
	v20 =	vcvt.s32.f32 v20;
	v14 =	vcvt.s32.f32 v14;
	v15 =	vld [tilespmem:s16+$0xFFFFFFC0]  }
0xaa: {  	v12 =	vadd.f32 $-2.786813020e+00, v16;
	v16 =	vmul.f32 v29, v22;
	v22 =	vmul.f32 $4.342890900e-02, v8  }
0xab: {  	v28 =	vmul.f32 $4.342890900e-02, v24;
	v7 =	vmul.f32 v7, v13;
	v26 =	vld.idx.msk [tilespmem:v30+s3+$0x0], $0xffff;
	v19 =	vsub.f32 v19, v32  }
0xac: {  	v9 =	vsub.f32 v9, v11;
	v12 =	vadd.f32 v14, v12;
	v14 =	vshrl.u32 v27, $0x17;
	v13 =	vld [tilespmem:s16+$0xFFFFFFD0]  }
0xad: {  	v22 =	vadd.f32 $-4.048671720e-01, v22;
	v19 =	vmul.f32 v19, v19;
	v11 =	vld [tilespmem:s16+$0x30];
	v23 =	vsub.f32 v23, v32  }
0xae: {  	v27 =	vadd.f32 $-4.048671720e-01, v28;
	v12 =	vmul.f32 $6.931471820e-01, v12;
	v15 =	vsub.f32 v15, v32  }
0xaf: {  	v14 =	vadd.s32 $0xFFFFFF81, v14;
	v16 =	vadd.f32 $5.046875950e+00, v16;
	v22 =	vmul.f32 v8, v22  }
0xb0: {  	v9 =	vsub.f32 v9, v7;
	v27 =	vmul.f32 v24, v27;
	v12 =	vmax.f32 v12, $-1.000000000e+02  }
0xb1: {  	v7 =	vsub.f32 v13, v26;
	v13 =	vmul.f32 v29, v16;
	v16 =	vadd.f32 $1.593901400e+00, v22  }
0xb2: {  	v15 =	vmul.f32 v15, v15;
	v22 =	vadd.f32 $1.593901400e+00, v27;
	v11 =	vsub.f32 v11, v26  }
0xb3: {  	v18 =	vadd.f32 v18, v21;
	v14 =	vcvt.s32.f32 v14;
	v13 =	vadd.f32 $-2.786813020e+00, v13  }
0xb4: {  	vm2 =	vgt.f32 v6, $0.0e+00;
	v21 =	vmul.f32 v7, v7;
	v22 =	vmul.f32 v24, v22  }
0xb5: {  	v27 =	vsel vm2, $0x3F800000, v2;
	v13 =	vadd.f32 v14, v13;
	v14 =	vsub.f32 v25, v26  }
0xb6: {  	v23 =	vmul.f32 v23, v23;
	v7 =	vsel vm1, $0x3F800000, v2;
	v16 =	vmul.f32 v8, v16  }
0xb7: {  	v17 =	vadd.f32 v20, v17;
	v20 =	vmul.f32 v11, v11;
	v13 =	vmul.f32 $6.931471820e-01, v13  }
0xb8: {  	v11 =	vmul.f32 v27, v7;
	v15 =	vadd.f32 v21, v15;
	v21 =	vadd.f32 $-3.492494340e+00, v22  }
0xb9: {  	v22 =	vadd.f32 $-3.492494340e+00, v16;
	v14 =	vmul.f32 v14, v14;
	v13 =	vmax.f32 v13, $-1.000000000e+02  }
0xba: {  	v15 =	vmul.f32 v15, v11;
	v16 =	vmul.f32 v24, v21;
	v12 =	vsub.f32 v12, v13  }
.Ltmp1:
0xbb: {  	v18 =	vmul.f32 $6.931471820e-01, v18;
	v17 =	vmul.f32 $6.931471820e-01, v17;
	v14 =	vadd.f32 v14, v19;
	(pc) =	sbr.rel @p0 .LBB2_4-.Ltmp1, $4  }
0xbc: {  	v20 =	vadd.f32 v20, v23;
	v16 =	vadd.f32 $5.046875950e+00, v16;
	v19 =	vmul.f32 v12, v6  }
0xbd: {  	v14 =	vmul.f32 v14, v11;
	v12 =	vmax.f32 v17, $-1.000000000e+02;
	v17 =	vadd.f32 v15, v10  }
0xbe: {  	v10 =	vmul.f32 v20, v11;
	v15 =	vadd.f32 v19, v13;
	v13 =	vmul.f32 v24, v16  }
0xbf: {  	s15 =	sadd.s32 $0x90, s15;
	s18 =	smov.u32 s17;
	s16 =	sadd.s32 $0x90, s16;
	v16 =	vmax.f32 v18, $-1.000000000e+02;
	v14 =	vadd.f32 v14, v17;
	v17 =	vmul.f32 v8, v22  }
0xc0: {  	_ = 	snop  }
0xc1: {  	v17 =	vadd.f32 $5.046875950e+00, v17;
	_ =	sdelay $0x1  }
0xc2: {  	v5 =	vshrl.u32 v5, $0x17;
	v8 =	vmul.f32 v8, v17  }
0xc3: {  	v4 =	vadd.s32 $0xFFFFFF81, v4;
	v13 =	vadd.f32 $-2.786813020e+00, v13;
	v5 =	vadd.s32 $0xFFFFFF81, v5  }
0xc4: {  	v4 =	vcvt.s32.f32 v4;
	v5 =	vcvt.s32.f32 v5;
	v8 =	vadd.f32 $-2.786813020e+00, v8;
	_ =	sdelay $0x1  }
0xc5: {  	v4 =	vadd.f32 v4, v13;
	v5 =	vadd.f32 v5, v8  }
0xc6: {  	v60 =	vsub.f32 v16, v12  }
0xc7: {  	v4 =	vmul.f32 $6.931471820e-01, v4;
	v5 =	vmul.f32 $6.931471820e-01, v5  }
0xc8: {  	v8 =	vmul.f32 v60, v6  }
0xc9: {  	v4 =	vmax.f32 v4, $-1.000000000e+02;
	v5 =	vmax.f32 v5, $-1.000000000e+02  }
0xca: {  	v8 =	vadd.f32 v8, v12;
	v4 =	vsub.f32 v4, v5;
	_ =	sdelay $0x1  }
0xcb: {  	v8 =	vmul.f32 v7, v8;
	v4 =	vmul.f32 v4, v6;
	_ =	sdelay $0x1  }
0xcc: {  	v61 =	vmul.f32 v7, v15;
	v62 =	vsub.f32 v9, v8;
	v4 =	vadd.f32 v4, v5;
	_ =	sdelay $0x1  }
0xcd: {  	v3 =	vadd.f32 v11, v3;
	v5 =	vsub.f32 v62, v61;
	v4 =	vmul.f32 v7, v4  }
0xce: {  	v63 =	vadd.f32 v10, v14  }
0xcf: {  	s14 =	sadd.s32 $0x1, s14;
	[tilespmem:$0xDA0] =	vst v3;
	v4 =	vsub.f32 v5, v4  }
0xd0: {  	p0 =	sne.s32 s14, s8;
	[tilespmem:$0xD90] =	vst v63  }
.Ltmp2:
0xd1: {  	[tilespmem:$0xD80] =	vst v4;
	(pc) =	sbr.rel @p0 .LBB2_1-.Ltmp2, $4  }
0xd2: {  	[hbm4b:s7+s3] =	stream.linear.scatter [tilespmem:s13], [sflag:$0x2], $0x80, $0x38;
	[tilespmem:$0xE00] =	vst v63  }
0xd3: {  	_ =	swait.ge [sflag:s9], $0x80  }
0xd4: {  	[sflag:s9] =	ssyncset.done $0x0  }
0xd5: {  	[sflag:s9] =	ssyncadd.s32 $0xFFFFFF80  }
0xd6: {  	_ =	sfence.sel $0x180000  }
0xd7: {  	[bflag:$0x0] =	sbarrier.arrive $0xFFFF  }
0xd8: {  	p0 =	sne.s32 s0, $0x0;
	_ =	strace $0x90000047  }
0xd9: {  	s0 =	sadd.s32 @!p0 $0x100000, s1;
	[bflag:$0x2] =	sbarrier.arrive $0xFFFF  }
0xda: {  	[sflag:s0] =	ssyncadd.tile.s32 @!p0 $0x1;
	_ =	shalt  }
.Lfunc_end2:
_tile_overlayer_lowered:
.L_overlay_start_2:
0xdb: {  	(tag) =	ssettag $0x2  }
0xdc: {  	s0 =	rddreg [dreg:$0x0];
	s2 =	stileid.u32  }
0xdd: {  	s1 =	rddreg [dreg:$0x1];
	p0 =	sne.s32 s2, $0x0  }
0xde: {  	s3 =	rddreg [dreg:$0x2];
	[bflag:$0x3] =	sbarrier.arrive $0xFFFF;
	s2 =	simm.s32 @!p0 $0x1C02  }
0xdf: {  	[timem:s3], [sflag:s2] =	dma.local @!p0 [hbm:s0], s1  }
0xe0: {  	s0 =	simm.s32 @!p0 $0x2  }
0xe1: {  	_ =	swait.ge @!p0 [sflag:s0], s1  }
0xe2: {  	s1 =	ssub.s32 @!p0 $0x0, s1;
	[sflag:s0] =	ssyncset.done @!p0 $0x0  }
0xe3: {  	[sflag:s0] =	ssyncadd.s32 @!p0 s1  }
0xe4: {  	[bflag:$0x3] =	sbarrier.arrive $0xFFFF  }
0xe5: {  	_ =	shalt  }

</sc_bundles>
